<compile_context>
chip_gen: v7x
topology: tpu7x:2x2x1
jax: 0.10.2.dev20260603
libtpu: 0.0.44.dev20260713+nightly
codegen_flags: <defaults>
</compile_context>

<pallas_src>
import functools

import jax
import jax.numpy as jnp
from jax import lax
from jax.experimental import pallas as pl
from jax.experimental.pallas import tpu as pltpu
from jax.experimental.pallas import tpu_sc as plsc

N = 100000
E = 6400000
B = 16
DT = 30.0

NC = 2
NS = 16
NW = NC * NS
L = 16

EW = E // NW
CE = 2000
NCH = EW // CE

NP = NW * 3136
NBV = 3136 // L


def _sc_body(ei_h, flow_h, inw_h, outw_h, nin_h, npr_h, bnd_h,
             batch_h, scal_h, zer_h, out_h,
             tbl, eibA, flwbA, inwbA, outwbA,
             eibB, flwbB, inwbB, outwbB,
             ninb, nprb, bndb, accb, scalb, semA, semB):
    wid = lax.axis_index("s") * NC + lax.axis_index("c")

    setA = (eibA, flwbA, inwbA, outwbA)
    setB = (eibB, flwbB, inwbB, outwbB)

    def refs(k):
        base = pl.multiple_of(wid * EW + k * CE, 8)
        return (ei_h.at[pl.ds(0, 2), pl.ds(base, CE)],
                flow_h.at[pl.ds(base, CE)],
                inw_h.at[pl.ds(base, CE)],
                outw_h.at[pl.ds(base, CE)])

    def issue(k, bufs, sem):
        for h, b in zip(refs(k), bufs):
            pltpu.async_copy(h, b, sem)

    def drain(bufs, sem):
        for h, b in zip(refs(0), bufs):
            pltpu.make_async_copy(h, b, sem).wait()

    issue(0, setA, semA)
    issue(1, setB, semB)

    pltpu.sync_copy(batch_h, tbl)
    pltpu.sync_copy(scal_h, scalb)
    pltpu.sync_copy(zer_h, accb)

    estd = scalb[pl.ds(0, L)]
    emean = scalb[pl.ds(L, L)]
    nstd = scalb[pl.ds(2 * L, L)]
    iotav = lax.iota(jnp.int32, L)
    lane16 = iotav * B
    zero16 = jnp.zeros((L,), jnp.int32)
    one16 = jnp.ones((L,), jnp.int32)

    nbase = wid * 3136
    pltpu.sync_copy(nin_h.at[pl.ds(nbase, 3136)], ninb)
    pltpu.sync_copy(npr_h.at[pl.ds(nbase, 3136)], nprb)
    pltpu.sync_copy(bnd_h.at[pl.ds(nbase, 3136)], bndb)

    def nvec_body(iv):
        sl = pl.ds(iv * L, L)
        bv = tbl[pl.ds(nbase + iv * L, L)]
        v = (nprb[sl] - ninb[sl]) * nstd * (1.0 - bndb[sl])
        plsc.addupdate_scatter(accb, [lane16 + bv], v)

    plsc.parallel_loop(0, NBV, 1, unroll=4)(nvec_body)

    def consume(bufs):
        eib, flwb, inwb, outwb = bufs

        def vec_body(iv):
            sl = pl.ds(iv * L, L)
            idxv = iv * L + iotav
            flw = flwb[sl] * estd + emean
            g1 = plsc.load_gather(tbl, [plsc.load_gather(eib, [zero16, idxv])])
            g2 = plsc.load_gather(tbl, [plsc.load_gather(eib, [one16, idxv])])
            plsc.addupdate_scatter(accb, [lane16 + g1], flw * (-DT),
                                   mask=inwb[sl] > 0)
            plsc.addupdate_scatter(accb, [lane16 + g2], flw * DT,
                                   mask=outwb[sl] > 0)

        plsc.parallel_loop(0, CE // L, 1, unroll=5)(vec_body)

    def pair_body(j, carry):
        k0 = 2 * j
        drain(setA, semA)
        consume(setA)

        @pl.when(k0 + 2 < NCH)
        def _():
            issue(k0 + 2, setA, semA)

        drain(setB, semB)
        consume(setB)

        @pl.when(k0 + 3 < NCH)
        def _():
            issue(k0 + 3, setB, semB)

        return carry

    lax.fori_loop(0, NCH // 2, pair_body, 0)

    pltpu.sync_copy(accb, out_h.at[wid])


def _tc_body(parts_ref, rain_ref, o_ref):
    s = jnp.sum(parts_ref[...], axis=0, keepdims=True)
    err = s - rain_ref[...]
    o_ref[...] = jnp.sum(jnp.abs(err), axis=1, keepdims=True) * (1.0 / B)


def _pack_mask(m):
    return m.astype(jnp.int32)


def kernel(batch_node_pred, batch_node_input, batch_edge_input, total_rainfall,
           batch, edge_index, boundary_nodes_mask, inflow_edges_mask,
           outflow_edges_mask, node_mean, node_std, edge_mean, edge_std):
    f32 = jnp.float32
    ei = edge_index.astype(jnp.int32)
    inw = _pack_mask(inflow_edges_mask)
    outw = _pack_mask(outflow_edges_mask)
    pad = NP - N
    nin = jnp.pad(batch_node_input[:, 0], (0, pad))
    npr = jnp.pad(batch_node_pred[:, 0], (0, pad))
    bnd = jnp.pad(boundary_nodes_mask.astype(f32), (0, pad),
                  constant_values=1.0)
    batchp = jnp.pad(batch.astype(jnp.int32), (0, pad))
    scal = jnp.concatenate([jnp.full((L,), edge_std, f32),
                            jnp.full((L,), edge_mean, f32),
                            jnp.full((L,), node_std, f32)])
    zer = jnp.zeros((L * B,), f32)

    mesh = plsc.VectorSubcoreMesh(core_axis_name="c", subcore_axis_name="s",
                                  num_cores=NC, num_subcores=NS)
    parts = pl.kernel(
        _sc_body,
        out_type=jax.ShapeDtypeStruct((NW, L * B), f32),
        mesh=mesh,
        compiler_params=pltpu.CompilerParams(needs_layout_passes=False,
                                             use_tc_tiling_on_sc=False),
        scratch_types=(
            [pltpu.VMEM((NP,), jnp.int32)]
            + 2 * [pltpu.VMEM((2, CE), jnp.int32),
                   pltpu.VMEM((CE,), f32),
                   pltpu.VMEM((CE,), jnp.int32),
                   pltpu.VMEM((CE,), jnp.int32)]
            + [pltpu.VMEM((3136,), f32),
               pltpu.VMEM((3136,), f32),
               pltpu.VMEM((3136,), f32),
               pltpu.VMEM((L * B,), f32),
               pltpu.VMEM((3 * L,), f32),
               pltpu.SemaphoreType.DMA,
               pltpu.SemaphoreType.DMA]
        ),
    )(ei, batch_edge_input[:, 0], inw, outw,
      nin, npr, bnd, batchp, scal, zer)

    loss = pl.pallas_call(
        _tc_body,
        out_shape=jax.ShapeDtypeStruct((1, 1), f32),
    )(parts.reshape(NW * L, B), total_rainfall.reshape(1, B))
    return loss[0, 0]

# --- scband reference (transcript-rebuilt; emitter-appended) ---
"""Pipeline reference for scband-global-mass-conservation-loss-57827439674003 (READ-ONLY COPY).

The authoritative reference and input builder live on the scoring server;
editing this copy changes nothing except your own understanding.
"""

import jax, jax.numpy as jnp
import numpy as np

N = 100000
E = 6400000
F = 128
FE = 4
B = 16
DELTA_T = 30.0


def setup_inputs(seed: int = 0) -> dict:
    key = jax.random.key(seed)
    ks = jax.random.split(key, 10)
    batch_node_pred = jax.random.normal(ks[0], (N, F), dtype=jnp.float32)
    batch_node_input = jax.random.normal(ks[1], (N, F), dtype=jnp.float32)
    batch_edge_input = jax.random.normal(ks[2], (E, FE), dtype=jnp.float32)
    total_rainfall = jax.random.uniform(ks[3], (B,), dtype=jnp.float32)
    batch = jnp.sort(jax.random.randint(ks[4], (N,), 0, B)).astype(jnp.int64)
    edge_index = jax.random.randint(ks[5], (2, E), 0, N).astype(jnp.int64)
    boundary_nodes_mask = jax.random.randint(ks[6], (N,), 0, 2).astype(jnp.bool_)
    inflow_edges_mask = jax.random.randint(ks[7], (E,), 0, 2).astype(jnp.bool_)
    outflow_edges_mask = jax.random.randint(ks[8], (E,), 0, 2).astype(jnp.bool_)
    # DatasetNormalizer statistics (learned/precomputed constants); denormalize: orig = x * std + mean
    node_mean = jnp.asarray(0.1, dtype=jnp.float32)
    node_std = jnp.asarray(1.2, dtype=jnp.float32)
    edge_mean = jnp.asarray(0.0, dtype=jnp.float32)
    edge_std = jnp.asarray(0.8, dtype=jnp.float32)
    return {
        "batch_node_pred": batch_node_pred,
        "batch_node_input": batch_node_input,
        "batch_edge_input": batch_edge_input,
        "total_rainfall": total_rainfall,
        "batch": batch,
        "edge_index": edge_index,
        "boundary_nodes_mask": boundary_nodes_mask,
        "inflow_edges_mask": inflow_edges_mask,
        "outflow_edges_mask": outflow_edges_mask,
        "node_mean": node_mean,
        "node_std": node_std,
        "edge_mean": edge_mean,
        "edge_std": edge_std,
    }


def reference(batch_node_pred, batch_node_input, batch_edge_input, total_rainfall,
              batch, edge_index, boundary_nodes_mask, inflow_edges_mask,
              outflow_edges_mask, node_mean, node_std, edge_mean, edge_std):
    non_boundary = (~boundary_nodes_mask).astype(jnp.float32)

    def get_orig_water_volume(x):
        # denormalize water-volume channel (feature 0)
        return x[:, 0] * node_std + node_mean

    # current total water volume per graph (non-boundary nodes only)
    curr_water_volume = get_orig_water_volume(batch_node_input) * non_boundary
    total_water_volume = jax.ops.segment_sum(curr_water_volume, batch, num_segments=B)

    # predicted next-step total water volume per graph
    next_water_volume = get_orig_water_volume(batch_node_pred) * non_boundary
    total_next_water_volume = jax.ops.segment_sum(next_water_volume, batch, num_segments=B)

    # denormalized water flow per edge (feature 0)
    water_flow = batch_edge_input[:, 0] * edge_std + edge_mean

    # inflow: scatter-sum masked flows by graph id of source node
    curr_inflow = water_flow * inflow_edges_mask.astype(jnp.float32)
    inflow_batch = batch[edge_index[0]]
    total_inflow = jax.ops.segment_sum(curr_inflow, inflow_batch, num_segments=B)

    # outflow: scatter-sum masked flows by graph id of destination node
    curr_outflow = water_flow * outflow_edges_mask.astype(jnp.float32)
    outflow_batch = batch[edge_index[1]]
    total_outflow = jax.ops.segment_sum(curr_outflow, outflow_batch, num_segments=B)

    delta_v = total_next_water_volume - total_water_volume
    inflow_volume = total_inflow * DELTA_T
    outflow_volume = total_outflow * DELTA_T
    global_volume_error = delta_v - inflow_volume + outflow_volume - total_rainfall
    # mode == 'train'
    global_volume_error = jnp.abs(global_volume_error)
    return jnp.mean(global_volume_error)

if __name__ == "__main__":
    import jax
    _d = setup_inputs()
    print(jax.jit(kernel)(*tuple(_d.values())))

</pallas_src>

<mosaic_0001>
#map = affine_map<(d0, d1) -> (0, 0)>
#map1 = affine_map<(d0, d1) -> (0)>
module attributes {stable_mosaic.version = 14 : i64} {
  func.func @_sc_body(%arg0: i32, %arg1: i32, %arg2: memref<2x6400000xi32, #tpu.memory_space<hbm>>, %arg3: memref<6400000xf32, #tpu.memory_space<hbm>>, %arg4: memref<6400000xi32, #tpu.memory_space<hbm>>, %arg5: memref<6400000xi32, #tpu.memory_space<hbm>>, %arg6: memref<100352xf32, #tpu.memory_space<hbm>>, %arg7: memref<100352xf32, #tpu.memory_space<hbm>>, %arg8: memref<100352xf32, #tpu.memory_space<hbm>>, %arg9: memref<100352xi32, #tpu.memory_space<hbm>>, %arg10: memref<48xf32, #tpu.memory_space<hbm>>, %arg11: memref<256xf32, #tpu.memory_space<hbm>>, %arg12: memref<32x256xf32, #tpu.memory_space<hbm>>, %arg13: memref<100352xi32, #tpu.memory_space<vmem>>, %arg14: memref<2x2000xi32, #tpu.memory_space<vmem>>, %arg15: memref<2000xf32, #tpu.memory_space<vmem>>, %arg16: memref<2000xi32, #tpu.memory_space<vmem>>, %arg17: memref<2000xi32, #tpu.memory_space<vmem>>, %arg18: memref<2x2000xi32, #tpu.memory_space<vmem>>, %arg19: memref<2000xf32, #tpu.memory_space<vmem>>, %arg20: memref<2000xi32, #tpu.memory_space<vmem>>, %arg21: memref<2000xi32, #tpu.memory_space<vmem>>, %arg22: memref<3136xf32, #tpu.memory_space<vmem>>, %arg23: memref<3136xf32, #tpu.memory_space<vmem>>, %arg24: memref<3136xf32, #tpu.memory_space<vmem>>, %arg25: memref<256xf32, #tpu.memory_space<vmem>>, %arg26: memref<48xf32, #tpu.memory_space<vmem>>, %arg27: memref<!tpu.dma_semaphore, #tpu.memory_space<semaphore_mem>>, %arg28: memref<!tpu.dma_semaphore, #tpu.memory_space<semaphore_mem>>) attributes {dimension_semantics = [#tpu.dimension_semantics<core_parallel>, #tpu.dimension_semantics<subcore_parallel>], iteration_bounds = array<i64: 2, 16>, scalar_prefetch = 0 : i64, scratch_operands = 16 : i64, tpu.core_type = #tpu.core_type<sc_vector_subcore>, window_params = [{transform_indices = #map}, {transform_indices = #map1}, {transform_indices = #map1}, {transform_indices = #map1}, {transform_indices = #map1}, {transform_indices = #map1}, {transform_indices = #map1}, {transform_indices = #map1}, {transform_indices = #map1}, {transform_indices = #map1}, {transform_indices = #map}]} {
    %mul3A = arith.constant 2 : i32
    %mul3A_0 = arith.muli %arg1, %mul3A : i32
    %add3A = arith.addi %mul3A_0, %arg0 : i32
    %mul3A_1 = arith.constant 200000 : i32
    %mul3A_2 = arith.muli %add3A, %mul3A_1 : i32
    %add3A_3 = arith.constant 0 : i32
    %add3A_4 = arith.addi %mul3A_2, %add3A_3 : i32
    %multiple_of3A = tpu.assume_multiple %add3A_4, 8 : i32
    %dma_start3A = arith.constant 0 : i32
    %dma_start3A_5 = tpu.memref_slice %arg2[%dma_start3A, %multiple_of3A] : memref<2x6400000xi32, #tpu.memory_space<hbm>> -> memref<2x2000xi32, #tpu.memory_space<hbm>>
    %dma_start3A_6 = arith.constant 0 : i32
    %dma_start3A_7 = tpu.memref_slice %arg2[%dma_start3A_6, %multiple_of3A] : memref<2x6400000xi32, #tpu.memory_space<hbm>> -> memref<2x2000xi32, #tpu.memory_space<hbm>>
    tpu.enqueue_dma source(%dma_start3A_7 : memref<2x2000xi32, #tpu.memory_space<hbm>>) target(%arg14 : memref<2x2000xi32, #tpu.memory_space<vmem>>) target_semaphore(%arg27 : memref<!tpu.dma_semaphore, #tpu.memory_space<semaphore_mem>>)
    %dma_start3A_8 = tpu.memref_slice %arg3[%multiple_of3A] : memref<6400000xf32, #tpu.memory_space<hbm>> -> memref<2000xf32, #tpu.memory_space<hbm>>
    %dma_start3A_9 = tpu.memref_slice %arg3[%multiple_of3A] : memref<6400000xf32, #tpu.memory_space<hbm>> -> memref<2000xf32, #tpu.memory_space<hbm>>
    tpu.enqueue_dma source(%dma_start3A_9 : memref<2000xf32, #tpu.memory_space<hbm>>) target(%arg15 : memref<2000xf32, #tpu.memory_space<vmem>>) target_semaphore(%arg27 : memref<!tpu.dma_semaphore, #tpu.memory_space<semaphore_mem>>)
    %dma_start3A_10 = tpu.memref_slice %arg4[%multiple_of3A] : memref<6400000xi32, #tpu.memory_space<hbm>> -> memref<2000xi32, #tpu.memory_space<hbm>>
    %dma_start3A_11 = tpu.memref_slice %arg4[%multiple_of3A] : memref<6400000xi32, #tpu.memory_space<hbm>> -> memref<2000xi32, #tpu.memory_space<hbm>>
    tpu.enqueue_dma source(%dma_start3A_11 : memref<2000xi32, #tpu.memory_space<hbm>>) target(%arg16 : memref<2000xi32, #tpu.memory_space<vmem>>) target_semaphore(%arg27 : memref<!tpu.dma_semaphore, #tpu.memory_space<semaphore_mem>>)
    %dma_start3A_12 = tpu.memref_slice %arg5[%multiple_of3A] : memref<6400000xi32, #tpu.memory_space<hbm>> -> memref<2000xi32, #tpu.memory_space<hbm>>
    %dma_start3A_13 = tpu.memref_slice %arg5[%multiple_of3A] : memref<6400000xi32, #tpu.memory_space<hbm>> -> memref<2000xi32, #tpu.memory_space<hbm>>
    tpu.enqueue_dma source(%dma_start3A_13 : memref<2000xi32, #tpu.memory_space<hbm>>) target(%arg17 : memref<2000xi32, #tpu.memory_space<vmem>>) target_semaphore(%arg27 : memref<!tpu.dma_semaphore, #tpu.memory_space<semaphore_mem>>)
    %mul3A_14 = arith.constant 200000 : i32
    %mul3A_15 = arith.muli %add3A, %mul3A_14 : i32
    %add3A_16 = arith.constant 2000 : i32
    %add3A_17 = arith.addi %mul3A_15, %add3A_16 : i32
    %multiple_of3A_18 = tpu.assume_multiple %add3A_17, 8 : i32
    %dma_start3A_19 = arith.constant 0 : i32
    %dma_start3A_20 = tpu.memref_slice %arg2[%dma_start3A_19, %multiple_of3A_18] : memref<2x6400000xi32, #tpu.memory_space<hbm>> -> memref<2x2000xi32, #tpu.memory_space<hbm>>
    %dma_start3A_21 = arith.constant 0 : i32
    %dma_start3A_22 = tpu.memref_slice %arg2[%dma_start3A_21, %multiple_of3A_18] : memref<2x6400000xi32, #tpu.memory_space<hbm>> -> memref<2x2000xi32, #tpu.memory_space<hbm>>
    tpu.enqueue_dma source(%dma_start3A_22 : memref<2x2000xi32, #tpu.memory_space<hbm>>) target(%arg18 : memref<2x2000xi32, #tpu.memory_space<vmem>>) target_semaphore(%arg28 : memref<!tpu.dma_semaphore, #tpu.memory_space<semaphore_mem>>)
    %dma_start3A_23 = tpu.memref_slice %arg3[%multiple_of3A_18] : memref<6400000xf32, #tpu.memory_space<hbm>> -> memref<2000xf32, #tpu.memory_space<hbm>>
    %dma_start3A_24 = tpu.memref_slice %arg3[%multiple_of3A_18] : memref<6400000xf32, #tpu.memory_space<hbm>> -> memref<2000xf32, #tpu.memory_space<hbm>>
    tpu.enqueue_dma source(%dma_start3A_24 : memref<2000xf32, #tpu.memory_space<hbm>>) target(%arg19 : memref<2000xf32, #tpu.memory_space<vmem>>) target_semaphore(%arg28 : memref<!tpu.dma_semaphore, #tpu.memory_space<semaphore_mem>>)
    %dma_start3A_25 = tpu.memref_slice %arg4[%multiple_of3A_18] : memref<6400000xi32, #tpu.memory_space<hbm>> -> memref<2000xi32, #tpu.memory_space<hbm>>
    %dma_start3A_26 = tpu.memref_slice %arg4[%multiple_of3A_18] : memref<6400000xi32, #tpu.memory_space<hbm>> -> memref<2000xi32, #tpu.memory_space<hbm>>
    tpu.enqueue_dma source(%dma_start3A_26 : memref<2000xi32, #tpu.memory_space<hbm>>) target(%arg20 : memref<2000xi32, #tpu.memory_space<vmem>>) target_semaphore(%arg28 : memref<!tpu.dma_semaphore, #tpu.memory_space<semaphore_mem>>)
    %dma_start3A_27 = tpu.memref_slice %arg5[%multiple_of3A_18] : memref<6400000xi32, #tpu.memory_space<hbm>> -> memref<2000xi32, #tpu.memory_space<hbm>>
    %dma_start3A_28 = tpu.memref_slice %arg5[%multiple_of3A_18] : memref<6400000xi32, #tpu.memory_space<hbm>> -> memref<2000xi32, #tpu.memory_space<hbm>>
    tpu.enqueue_dma source(%dma_start3A_28 : memref<2000xi32, #tpu.memory_space<hbm>>) target(%arg21 : memref<2000xi32, #tpu.memory_space<vmem>>) target_semaphore(%arg28 : memref<!tpu.dma_semaphore, #tpu.memory_space<semaphore_mem>>)
    "tpu.region"() ({
      %run_scoped3A = tpu.sem_alloc : memref<!tpu.dma_semaphore, #tpu.memory_space<semaphore_mem>>
      tpu.enqueue_dma source(%arg9 : memref<100352xi32, #tpu.memory_space<hbm>>) target(%arg13 : memref<100352xi32, #tpu.memory_space<vmem>>) target_semaphore(%run_scoped3A : memref<!tpu.dma_semaphore, #tpu.memory_space<semaphore_mem>>)
      tpu.wait_dma2 semaphore(%run_scoped3A : memref<!tpu.dma_semaphore, #tpu.memory_space<semaphore_mem>>) src(%arg9 : memref<100352xi32, #tpu.memory_space<hbm>>) dst(%arg13 : memref<100352xi32, #tpu.memory_space<vmem>>)
      tpu.yield
    }) : () -> ()
    "tpu.region"() ({
      %run_scoped3A = tpu.sem_alloc : memref<!tpu.dma_semaphore, #tpu.memory_space<semaphore_mem>>
      tpu.enqueue_dma source(%arg10 : memref<48xf32, #tpu.memory_space<hbm>>) target(%arg26 : memref<48xf32, #tpu.memory_space<vmem>>) target_semaphore(%run_scoped3A : memref<!tpu.dma_semaphore, #tpu.memory_space<semaphore_mem>>)
      tpu.wait_dma2 semaphore(%run_scoped3A : memref<!tpu.dma_semaphore, #tpu.memory_space<semaphore_mem>>) src(%arg10 : memref<48xf32, #tpu.memory_space<hbm>>) dst(%arg26 : memref<48xf32, #tpu.memory_space<vmem>>)
      tpu.yield
    }) : () -> ()
    "tpu.region"() ({
      %run_scoped3A = tpu.sem_alloc : memref<!tpu.dma_semaphore, #tpu.memory_space<semaphore_mem>>
      tpu.enqueue_dma source(%arg11 : memref<256xf32, #tpu.memory_space<hbm>>) target(%arg25 : memref<256xf32, #tpu.memory_space<vmem>>) target_semaphore(%run_scoped3A : memref<!tpu.dma_semaphore, #tpu.memory_space<semaphore_mem>>)
      tpu.wait_dma2 semaphore(%run_scoped3A : memref<!tpu.dma_semaphore, #tpu.memory_space<semaphore_mem>>) src(%arg11 : memref<256xf32, #tpu.memory_space<hbm>>) dst(%arg25 : memref<256xf32, #tpu.memory_space<vmem>>)
      tpu.yield
    }) : () -> ()
    %get3A = arith.constant 0 : index
    %get3A_29 = tpu.vector_load %arg26[%get3A] {strides = array<i32>} : memref<48xf32, #tpu.memory_space<vmem>>, vector<16xf32>,
    %get3A_30 = arith.constant 16 : index
    %get3A_31 = tpu.vector_load %arg26[%get3A_30] {strides = array<i32>} : memref<48xf32, #tpu.memory_space<vmem>>, vector<16xf32>,
    %get3A_32 = arith.constant 32 : index
    %get3A_33 = tpu.vector_load %arg26[%get3A_32] {strides = array<i32>} : memref<48xf32, #tpu.memory_space<vmem>>, vector<16xf32>,
    %iota3A = tpu.iota {dimensions = array<i32: 0>} : vector<16xi32>
    %mul3A_34 = arith.constant 16 : i32
    %mul3A_35 = vector.broadcast %mul3A_34 : i32 to vector<16xi32>
    %mul3A_36 = arith.muli %iota3A, %mul3A_35 : vector<16xi32>
    %broadcast_in_dim3A = arith.constant 0 : i32
    %broadcast_in_dim3A_37 = vector.broadcast %broadcast_in_dim3A : i32 to vector<16xi32>
    %broadcast_in_dim3A_38 = arith.constant 1 : i32
    %broadcast_in_dim3A_39 = vector.broadcast %broadcast_in_dim3A_38 : i32 to vector<16xi32>
    %mul3A_40 = arith.constant 3136 : i32
    %mul3A_41 = arith.muli %add3A, %mul3A_40 : i32
    "tpu.region"() ({
      %run_scoped3A = tpu.sem_alloc : memref<!tpu.dma_semaphore, #tpu.memory_space<semaphore_mem>>
      %dma_start3A_49 = tpu.memref_slice %arg6[%mul3A_41] : memref<100352xf32, #tpu.memory_space<hbm>> -> memref<3136xf32, #tpu.memory_space<hbm>>
      %dma_start3A_50 = tpu.memref_slice %arg6[%mul3A_41] : memref<100352xf32, #tpu.memory_space<hbm>> -> memref<3136xf32, #tpu.memory_space<hbm>>
      tpu.enqueue_dma source(%dma_start3A_50 : memref<3136xf32, #tpu.memory_space<hbm>>) target(%arg22 : memref<3136xf32, #tpu.memory_space<vmem>>) target_semaphore(%run_scoped3A : memref<!tpu.dma_semaphore, #tpu.memory_space<semaphore_mem>>)
      %dma_wait3A = tpu.memref_slice %arg6[%mul3A_41] : memref<100352xf32, #tpu.memory_space<hbm>> -> memref<3136xf32, #tpu.memory_space<hbm>>
      %dma_wait3A_51 = tpu.memref_slice %arg6[%mul3A_41] : memref<100352xf32, #tpu.memory_space<hbm>> -> memref<3136xf32, #tpu.memory_space<hbm>>
      tpu.wait_dma2 semaphore(%run_scoped3A : memref<!tpu.dma_semaphore, #tpu.memory_space<semaphore_mem>>) src(%dma_wait3A_51 : memref<3136xf32, #tpu.memory_space<hbm>>) dst(%arg22 : memref<3136xf32, #tpu.memory_space<vmem>>)
      tpu.yield
    }) : () -> ()
    "tpu.region"() ({
      %run_scoped3A = tpu.sem_alloc : memref<!tpu.dma_semaphore, #tpu.memory_space<semaphore_mem>>
      %dma_start3A_49 = tpu.memref_slice %arg7[%mul3A_41] : memref<100352xf32, #tpu.memory_space<hbm>> -> memref<3136xf32, #tpu.memory_space<hbm>>
      %dma_start3A_50 = tpu.memref_slice %arg7[%mul3A_41] : memref<100352xf32, #tpu.memory_space<hbm>> -> memref<3136xf32, #tpu.memory_space<hbm>>
      tpu.enqueue_dma source(%dma_start3A_50 : memref<3136xf32, #tpu.memory_space<hbm>>) target(%arg23 : memref<3136xf32, #tpu.memory_space<vmem>>) target_semaphore(%run_scoped3A : memref<!tpu.dma_semaphore, #tpu.memory_space<semaphore_mem>>)
      %dma_wait3A = tpu.memref_slice %arg7[%mul3A_41] : memref<100352xf32, #tpu.memory_space<hbm>> -> memref<3136xf32, #tpu.memory_space<hbm>>
      %dma_wait3A_51 = tpu.memref_slice %arg7[%mul3A_41] : memref<100352xf32, #tpu.memory_space<hbm>> -> memref<3136xf32, #tpu.memory_space<hbm>>
      tpu.wait_dma2 semaphore(%run_scoped3A : memref<!tpu.dma_semaphore, #tpu.memory_space<semaphore_mem>>) src(%dma_wait3A_51 : memref<3136xf32, #tpu.memory_space<hbm>>) dst(%arg23 : memref<3136xf32, #tpu.memory_space<vmem>>)
      tpu.yield
    }) : () -> ()
    "tpu.region"() ({
      %run_scoped3A = tpu.sem_alloc : memref<!tpu.dma_semaphore, #tpu.memory_space<semaphore_mem>>
      %dma_start3A_49 = tpu.memref_slice %arg8[%mul3A_41] : memref<100352xf32, #tpu.memory_space<hbm>> -> memref<3136xf32, #tpu.memory_space<hbm>>
      %dma_start3A_50 = tpu.memref_slice %arg8[%mul3A_41] : memref<100352xf32, #tpu.memory_space<hbm>> -> memref<3136xf32, #tpu.memory_space<hbm>>
      tpu.enqueue_dma source(%dma_start3A_50 : memref<3136xf32, #tpu.memory_space<hbm>>) target(%arg24 : memref<3136xf32, #tpu.memory_space<vmem>>) target_semaphore(%run_scoped3A : memref<!tpu.dma_semaphore, #tpu.memory_space<semaphore_mem>>)
      %dma_wait3A = tpu.memref_slice %arg8[%mul3A_41] : memref<100352xf32, #tpu.memory_space<hbm>> -> memref<3136xf32, #tpu.memory_space<hbm>>
      %dma_wait3A_51 = tpu.memref_slice %arg8[%mul3A_41] : memref<100352xf32, #tpu.memory_space<hbm>> -> memref<3136xf32, #tpu.memory_space<hbm>>
      tpu.wait_dma2 semaphore(%run_scoped3A : memref<!tpu.dma_semaphore, #tpu.memory_space<semaphore_mem>>) src(%dma_wait3A_51 : memref<3136xf32, #tpu.memory_space<hbm>>) dst(%arg24 : memref<3136xf32, #tpu.memory_space<vmem>>)
      tpu.yield
    }) : () -> ()
    %parallel_loop3A = arith.constant 0 : i32
    %parallel_loop3A_42 = arith.constant 196 : i32
    %parallel_loop3A_43 = arith.constant 1 : i32
    scf.for %parallel_loop3A_49 = %parallel_loop3A to %parallel_loop3A_42 step %parallel_loop3A_43  : i32 {
      %parallel_loop3A_50 = arith.constant 16 : i32
      %parallel_loop3A_51 = arith.muli %parallel_loop3A_49, %parallel_loop3A_50 : i32
      %parallel_loop3A_52 = arith.constant 16 : i32
      %parallel_loop3A_53 = arith.muli %parallel_loop3A_49, %parallel_loop3A_52 : i32
      %parallel_loop3A_54 = arith.addi %mul3A_41, %parallel_loop3A_53 : i32
      %parallel_loop3A_55 = arith.index_cast %parallel_loop3A_54 : i32 to index
      %parallel_loop3A_56 = tpu.vector_load %arg13[%parallel_loop3A_55] {strides = array<i32>} : memref<100352xi32, #tpu.memory_space<vmem>>, vector<16xi32>,
      %parallel_loop3A_57 = arith.index_cast %parallel_loop3A_51 : i32 to index
      %parallel_loop3A_58 = tpu.vector_load %arg23[%parallel_loop3A_57] {strides = array<i32>} : memref<3136xf32, #tpu.memory_space<vmem>>, vector<16xf32>,
      %parallel_loop3A_59 = arith.index_cast %parallel_loop3A_51 : i32 to index
      %parallel_loop3A_60 = tpu.vector_load %arg22[%parallel_loop3A_59] {strides = array<i32>} : memref<3136xf32, #tpu.memory_space<vmem>>, vector<16xf32>,
      %parallel_loop3A_61 = arith.subf %parallel_loop3A_58, %parallel_loop3A_60 : vector<16xf32>
      %parallel_loop3A_62 = arith.mulf %parallel_loop3A_61, %get3A_33 : vector<16xf32>
      %parallel_loop3A_63 = arith.index_cast %parallel_loop3A_51 : i32 to index
      %parallel_loop3A_64 = tpu.vector_load %arg24[%parallel_loop3A_63] {strides = array<i32>} : memref<3136xf32, #tpu.memory_space<vmem>>, vector<16xf32>,
      %parallel_loop3A_65 = arith.constant 1.000000e+00 : f32
      %parallel_loop3A_66 = vector.broadcast %parallel_loop3A_65 : f32 to vector<16xf32>
      %parallel_loop3A_67 = arith.subf %parallel_loop3A_66, %parallel_loop3A_64 : vector<16xf32>
      %parallel_loop3A_68 = arith.mulf %parallel_loop3A_62, %parallel_loop3A_67 : vector<16xf32>
      %parallel_loop3A_69 = arith.addi %mul3A_36, %parallel_loop3A_56 : vector<16xi32>
      tpu.vector_store_idx %arg25[%parallel_loop3A_69], %parallel_loop3A_68 {add = true} : memref<256xf32, #tpu.memory_space<vmem>>[vector<16xi32>], vector<16xf32>,
    } {sc.loop_unroll_factor = 4 : i64, sc.parallel_access}
    %scan3A = arith.constant 0 : i32
    %scan3A_44 = arith.constant 0 : i32
    %scan3A_45 = arith.constant 50 : i32
    %scan3A_46 = arith.addi %scan3A_44, %scan3A_45 : i32
    %scan3A_47 = arith.constant 1 : i32
    scf.for %scan3A_49 = %scan3A_44 to %scan3A_46 step %scan3A_47  : i32 {
      %mul3A_50 = arith.constant 2 : i32
      %mul3A_51 = arith.muli %mul3A_50, %scan3A_49 : i32
      %mul3A_52 = arith.constant 200000 : i32
      %mul3A_53 = arith.muli %add3A, %mul3A_52 : i32
      %add3A_54 = arith.constant 0 : i32
      %add3A_55 = arith.addi %mul3A_53, %add3A_54 : i32
      %multiple_of3A_56 = tpu.assume_multiple %add3A_55, 8 : i32
      %dma_wait3A = arith.constant 0 : i32
      %dma_wait3A_57 = tpu.memref_slice %arg2[%dma_wait3A, %multiple_of3A_56] : memref<2x6400000xi32, #tpu.memory_space<hbm>> -> memref<2x2000xi32, #tpu.memory_space<hbm>>
      %dma_wait3A_58 = arith.constant 0 : i32
      %dma_wait3A_59 = tpu.memref_slice %arg2[%dma_wait3A_58, %multiple_of3A_56] : memref<2x6400000xi32, #tpu.memory_space<hbm>> -> memref<2x2000xi32, #tpu.memory_space<hbm>>
      tpu.wait_dma2 semaphore(%arg27 : memref<!tpu.dma_semaphore, #tpu.memory_space<semaphore_mem>>) src(%dma_wait3A_59 : memref<2x2000xi32, #tpu.memory_space<hbm>>) dst(%arg14 : memref<2x2000xi32, #tpu.memory_space<vmem>>)
      %dma_wait3A_60 = tpu.memref_slice %arg3[%multiple_of3A_56] : memref<6400000xf32, #tpu.memory_space<hbm>> -> memref<2000xf32, #tpu.memory_space<hbm>>
      %dma_wait3A_61 = tpu.memref_slice %arg3[%multiple_of3A_56] : memref<6400000xf32, #tpu.memory_space<hbm>> -> memref<2000xf32, #tpu.memory_space<hbm>>
      tpu.wait_dma2 semaphore(%arg27 : memref<!tpu.dma_semaphore, #tpu.memory_space<semaphore_mem>>) src(%dma_wait3A_61 : memref<2000xf32, #tpu.memory_space<hbm>>) dst(%arg15 : memref<2000xf32, #tpu.memory_space<vmem>>)
      %dma_wait3A_62 = tpu.memref_slice %arg4[%multiple_of3A_56] : memref<6400000xi32, #tpu.memory_space<hbm>> -> memref<2000xi32, #tpu.memory_space<hbm>>
      %dma_wait3A_63 = tpu.memref_slice %arg4[%multiple_of3A_56] : memref<6400000xi32, #tpu.memory_space<hbm>> -> memref<2000xi32, #tpu.memory_space<hbm>>
      tpu.wait_dma2 semaphore(%arg27 : memref<!tpu.dma_semaphore, #tpu.memory_space<semaphore_mem>>) src(%dma_wait3A_63 : memref<2000xi32, #tpu.memory_space<hbm>>) dst(%arg16 : memref<2000xi32, #tpu.memory_space<vmem>>)
      %dma_wait3A_64 = tpu.memref_slice %arg5[%multiple_of3A_56] : memref<6400000xi32, #tpu.memory_space<hbm>> -> memref<2000xi32, #tpu.memory_space<hbm>>
      %dma_wait3A_65 = tpu.memref_slice %arg5[%multiple_of3A_56] : memref<6400000xi32, #tpu.memory_space<hbm>> -> memref<2000xi32, #tpu.memory_space<hbm>>
      tpu.wait_dma2 semaphore(%arg27 : memref<!tpu.dma_semaphore, #tpu.memory_space<semaphore_mem>>) src(%dma_wait3A_65 : memref<2000xi32, #tpu.memory_space<hbm>>) dst(%arg17 : memref<2000xi32, #tpu.memory_space<vmem>>)
      %parallel_loop3A_66 = arith.constant 0 : i32
      %parallel_loop3A_67 = arith.constant 125 : i32
      %parallel_loop3A_68 = arith.constant 1 : i32
      scf.for %parallel_loop3A_98 = %parallel_loop3A_66 to %parallel_loop3A_67 step %parallel_loop3A_68  : i32 {
        %parallel_loop3A_99 = arith.constant 16 : i32
        %parallel_loop3A_100 = arith.muli %parallel_loop3A_98, %parallel_loop3A_99 : i32
        %parallel_loop3A_101 = arith.constant 16 : i32
        %parallel_loop3A_102 = arith.muli %parallel_loop3A_98, %parallel_loop3A_101 : i32
        %parallel_loop3A_103 = vector.broadcast %parallel_loop3A_102 : i32 to vector<16xi32>
        %parallel_loop3A_104 = arith.addi %parallel_loop3A_103, %iota3A : vector<16xi32>
        %parallel_loop3A_105 = arith.index_cast %parallel_loop3A_100 : i32 to index
        %parallel_loop3A_106 = tpu.vector_load %arg15[%parallel_loop3A_105] {strides = array<i32>} : memref<2000xf32, #tpu.memory_space<vmem>>, vector<16xf32>,
        %parallel_loop3A_107 = arith.mulf %parallel_loop3A_106, %get3A_29 : vector<16xf32>
        %parallel_loop3A_108 = arith.addf %parallel_loop3A_107, %get3A_31 : vector<16xf32>
        %parallel_loop3A_109 = tpu.vector_load_idx %arg14[%broadcast_in_dim3A_37, %parallel_loop3A_104] : memref<2x2000xi32, #tpu.memory_space<vmem>>[vector<16xi32>, vector<16xi32>], vector<16xi32>,
        %parallel_loop3A_110 = tpu.vector_load_idx %arg13[%parallel_loop3A_109] : memref<100352xi32, #tpu.memory_space<vmem>>[vector<16xi32>], vector<16xi32>,
        %parallel_loop3A_111 = tpu.vector_load_idx %arg14[%broadcast_in_dim3A_39, %parallel_loop3A_104] : memref<2x2000xi32, #tpu.memory_space<vmem>>[vector<16xi32>, vector<16xi32>], vector<16xi32>,
        %parallel_loop3A_112 = tpu.vector_load_idx %arg13[%parallel_loop3A_111] : memref<100352xi32, #tpu.memory_space<vmem>>[vector<16xi32>], vector<16xi32>,
        %parallel_loop3A_113 = arith.addi %mul3A_36, %parallel_loop3A_110 : vector<16xi32>
        %parallel_loop3A_114 = arith.constant -3.000000e+01 : f32
        %parallel_loop3A_115 = vector.broadcast %parallel_loop3A_114 : f32 to vector<16xf32>
        %parallel_loop3A_116 = arith.mulf %parallel_loop3A_108, %parallel_loop3A_115 : vector<16xf32>
        %parallel_loop3A_117 = arith.index_cast %parallel_loop3A_100 : i32 to index
        %parallel_loop3A_118 = tpu.vector_load %arg16[%parallel_loop3A_117] {strides = array<i32>} : memref<2000xi32, #tpu.memory_space<vmem>>, vector<16xi32>,
        %parallel_loop3A_119 = arith.constant 0 : i32
        %parallel_loop3A_120 = vector.broadcast %parallel_loop3A_119 : i32 to vector<16xi32>
        %parallel_loop3A_121 = arith.cmpi sgt, %parallel_loop3A_118, %parallel_loop3A_120 : vector<16xi32>
        tpu.vector_store_idx %arg25[%parallel_loop3A_113], %parallel_loop3A_116 masked %parallel_loop3A_121 {add = true} : memref<256xf32, #tpu.memory_space<vmem>>[vector<16xi32>], vector<16xf32>, vector<16xi1>
        %parallel_loop3A_122 = arith.addi %mul3A_36, %parallel_loop3A_112 : vector<16xi32>
        %parallel_loop3A_123 = arith.constant 3.000000e+01 : f32
        %parallel_loop3A_124 = vector.broadcast %parallel_loop3A_123 : f32 to vector<16xf32>
        %parallel_loop3A_125 = arith.mulf %parallel_loop3A_108, %parallel_loop3A_124 : vector<16xf32>
        %parallel_loop3A_126 = arith.index_cast %parallel_loop3A_100 : i32 to index
        %parallel_loop3A_127 = tpu.vector_load %arg17[%parallel_loop3A_126] {strides = array<i32>} : memref<2000xi32, #tpu.memory_space<vmem>>, vector<16xi32>,
        %parallel_loop3A_128 = arith.constant 0 : i32
        %parallel_loop3A_129 = vector.broadcast %parallel_loop3A_128 : i32 to vector<16xi32>
        %parallel_loop3A_130 = arith.cmpi sgt, %parallel_loop3A_127, %parallel_loop3A_129 : vector<16xi32>
        tpu.vector_store_idx %arg25[%parallel_loop3A_122], %parallel_loop3A_125 masked %parallel_loop3A_130 {add = true} : memref<256xf32, #tpu.memory_space<vmem>>[vector<16xi32>], vector<16xf32>, vector<16xi1>
      } {sc.loop_unroll_factor = 5 : i64, sc.parallel_access}
      %add3A_69 = arith.constant 2 : i32
      %add3A_70 = arith.addi %mul3A_51, %add3A_69 : i32
      %lt3A = arith.constant 100 : i32
      %lt3A_71 = arith.cmpi slt, %add3A_70, %lt3A : i32
      %convert_element_type3A = arith.extui %lt3A_71 : i1 to i32
      %cond3A = arith.constant 0 : i32
      %cond3A_72 = arith.cmpi ne, %convert_element_type3A, %cond3A : i32
      scf.if %cond3A_72 {
        %add3A_98 = arith.constant 2 : i32
        %add3A_99 = arith.addi %mul3A_51, %add3A_98 : i32
        %mul3A_100 = arith.constant 200000 : i32
        %mul3A_101 = arith.muli %add3A, %mul3A_100 : i32
        %mul3A_102 = arith.constant 2000 : i32
        %mul3A_103 = arith.muli %add3A_99, %mul3A_102 : i32
        %add3A_104 = arith.addi %mul3A_101, %mul3A_103 : i32
        %multiple_of3A_105 = tpu.assume_multiple %add3A_104, 8 : i32
        %dma_start3A_106 = arith.constant 0 : i32
        %dma_start3A_107 = tpu.memref_slice %arg2[%dma_start3A_106, %multiple_of3A_105] : memref<2x6400000xi32, #tpu.memory_space<hbm>> -> memref<2x2000xi32, #tpu.memory_space<hbm>>
        %dma_start3A_108 = arith.constant 0 : i32
        %dma_start3A_109 = tpu.memref_slice %arg2[%dma_start3A_108, %multiple_of3A_105] : memref<2x6400000xi32, #tpu.memory_space<hbm>> -> memref<2x2000xi32, #tpu.memory_space<hbm>>
        tpu.enqueue_dma source(%dma_start3A_109 : memref<2x2000xi32, #tpu.memory_space<hbm>>) target(%arg14 : memref<2x2000xi32, #tpu.memory_space<vmem>>) target_semaphore(%arg27 : memref<!tpu.dma_semaphore, #tpu.memory_space<semaphore_mem>>)
        %dma_start3A_110 = tpu.memref_slice %arg3[%multiple_of3A_105] : memref<6400000xf32, #tpu.memory_space<hbm>> -> memref<2000xf32, #tpu.memory_space<hbm>>
        %dma_start3A_111 = tpu.memref_slice %arg3[%multiple_of3A_105] : memref<6400000xf32, #tpu.memory_space<hbm>> -> memref<2000xf32, #tpu.memory_space<hbm>>
        tpu.enqueue_dma source(%dma_start3A_111 : memref<2000xf32, #tpu.memory_space<hbm>>) target(%arg15 : memref<2000xf32, #tpu.memory_space<vmem>>) target_semaphore(%arg27 : memref<!tpu.dma_semaphore, #tpu.memory_space<semaphore_mem>>)
        %dma_start3A_112 = tpu.memref_slice %arg4[%multiple_of3A_105] : memref<6400000xi32, #tpu.memory_space<hbm>> -> memref<2000xi32, #tpu.memory_space<hbm>>
        %dma_start3A_113 = tpu.memref_slice %arg4[%multiple_of3A_105] : memref<6400000xi32, #tpu.memory_space<hbm>> -> memref<2000xi32, #tpu.memory_space<hbm>>
        tpu.enqueue_dma source(%dma_start3A_113 : memref<2000xi32, #tpu.memory_space<hbm>>) target(%arg16 : memref<2000xi32, #tpu.memory_space<vmem>>) target_semaphore(%arg27 : memref<!tpu.dma_semaphore, #tpu.memory_space<semaphore_mem>>)
        %dma_start3A_114 = tpu.memref_slice %arg5[%multiple_of3A_105] : memref<6400000xi32, #tpu.memory_space<hbm>> -> memref<2000xi32, #tpu.memory_space<hbm>>
        %dma_start3A_115 = tpu.memref_slice %arg5[%multiple_of3A_105] : memref<6400000xi32, #tpu.memory_space<hbm>> -> memref<2000xi32, #tpu.memory_space<hbm>>
        tpu.enqueue_dma source(%dma_start3A_115 : memref<2000xi32, #tpu.memory_space<hbm>>) target(%arg17 : memref<2000xi32, #tpu.memory_space<vmem>>) target_semaphore(%arg27 : memref<!tpu.dma_semaphore, #tpu.memory_space<semaphore_mem>>)
      } else {
      }
      %mul3A_73 = arith.constant 200000 : i32
      %mul3A_74 = arith.muli %add3A, %mul3A_73 : i32
      %add3A_75 = arith.constant 0 : i32
      %add3A_76 = arith.addi %mul3A_74, %add3A_75 : i32
      %multiple_of3A_77 = tpu.assume_multiple %add3A_76, 8 : i32
      %dma_wait3A_78 = arith.constant 0 : i32
      %dma_wait3A_79 = tpu.memref_slice %arg2[%dma_wait3A_78, %multiple_of3A_77] : memref<2x6400000xi32, #tpu.memory_space<hbm>> -> memref<2x2000xi32, #tpu.memory_space<hbm>>
      %dma_wait3A_80 = arith.constant 0 : i32
      %dma_wait3A_81 = tpu.memref_slice %arg2[%dma_wait3A_80, %multiple_of3A_77] : memref<2x6400000xi32, #tpu.memory_space<hbm>> -> memref<2x2000xi32, #tpu.memory_space<hbm>>
      tpu.wait_dma2 semaphore(%arg28 : memref<!tpu.dma_semaphore, #tpu.memory_space<semaphore_mem>>) src(%dma_wait3A_81 : memref<2x2000xi32, #tpu.memory_space<hbm>>) dst(%arg18 : memref<2x2000xi32, #tpu.memory_space<vmem>>)
      %dma_wait3A_82 = tpu.memref_slice %arg3[%multiple_of3A_77] : memref<6400000xf32, #tpu.memory_space<hbm>> -> memref<2000xf32, #tpu.memory_space<hbm>>
      %dma_wait3A_83 = tpu.memref_slice %arg3[%multiple_of3A_77] : memref<6400000xf32, #tpu.memory_space<hbm>> -> memref<2000xf32, #tpu.memory_space<hbm>>
      tpu.wait_dma2 semaphore(%arg28 : memref<!tpu.dma_semaphore, #tpu.memory_space<semaphore_mem>>) src(%dma_wait3A_83 : memref<2000xf32, #tpu.memory_space<hbm>>) dst(%arg19 : memref<2000xf32, #tpu.memory_space<vmem>>)
      %dma_wait3A_84 = tpu.memref_slice %arg4[%multiple_of3A_77] : memref<6400000xi32, #tpu.memory_space<hbm>> -> memref<2000xi32, #tpu.memory_space<hbm>>
      %dma_wait3A_85 = tpu.memref_slice %arg4[%multiple_of3A_77] : memref<6400000xi32, #tpu.memory_space<hbm>> -> memref<2000xi32, #tpu.memory_space<hbm>>
      tpu.wait_dma2 semaphore(%arg28 : memref<!tpu.dma_semaphore, #tpu.memory_space<semaphore_mem>>) src(%dma_wait3A_85 : memref<2000xi32, #tpu.memory_space<hbm>>) dst(%arg20 : memref<2000xi32, #tpu.memory_space<vmem>>)
      %dma_wait3A_86 = tpu.memref_slice %arg5[%multiple_of3A_77] : memref<6400000xi32, #tpu.memory_space<hbm>> -> memref<2000xi32, #tpu.memory_space<hbm>>
      %dma_wait3A_87 = tpu.memref_slice %arg5[%multiple_of3A_77] : memref<6400000xi32, #tpu.memory_space<hbm>> -> memref<2000xi32, #tpu.memory_space<hbm>>
      tpu.wait_dma2 semaphore(%arg28 : memref<!tpu.dma_semaphore, #tpu.memory_space<semaphore_mem>>) src(%dma_wait3A_87 : memref<2000xi32, #tpu.memory_space<hbm>>) dst(%arg21 : memref<2000xi32, #tpu.memory_space<vmem>>)
      %parallel_loop3A_88 = arith.constant 0 : i32
      %parallel_loop3A_89 = arith.constant 125 : i32
      %parallel_loop3A_90 = arith.constant 1 : i32
      scf.for %parallel_loop3A_98 = %parallel_loop3A_88 to %parallel_loop3A_89 step %parallel_loop3A_90  : i32 {
        %parallel_loop3A_99 = arith.constant 16 : i32
        %parallel_loop3A_100 = arith.muli %parallel_loop3A_98, %parallel_loop3A_99 : i32
        %parallel_loop3A_101 = arith.constant 16 : i32
        %parallel_loop3A_102 = arith.muli %parallel_loop3A_98, %parallel_loop3A_101 : i32
        %parallel_loop3A_103 = vector.broadcast %parallel_loop3A_102 : i32 to vector<16xi32>
        %parallel_loop3A_104 = arith.addi %parallel_loop3A_103, %iota3A : vector<16xi32>
        %parallel_loop3A_105 = arith.index_cast %parallel_loop3A_100 : i32 to index
        %parallel_loop3A_106 = tpu.vector_load %arg19[%parallel_loop3A_105] {strides = array<i32>} : memref<2000xf32, #tpu.memory_space<vmem>>, vector<16xf32>,
        %parallel_loop3A_107 = arith.mulf %parallel_loop3A_106, %get3A_29 : vector<16xf32>
        %parallel_loop3A_108 = arith.addf %parallel_loop3A_107, %get3A_31 : vector<16xf32>
        %parallel_loop3A_109 = tpu.vector_load_idx %arg18[%broadcast_in_dim3A_37, %parallel_loop3A_104] : memref<2x2000xi32, #tpu.memory_space<vmem>>[vector<16xi32>, vector<16xi32>], vector<16xi32>,
        %parallel_loop3A_110 = tpu.vector_load_idx %arg13[%parallel_loop3A_109] : memref<100352xi32, #tpu.memory_space<vmem>>[vector<16xi32>], vector<16xi32>,
        %parallel_loop3A_111 = tpu.vector_load_idx %arg18[%broadcast_in_dim3A_39, %parallel_loop3A_104] : memref<2x2000xi32, #tpu.memory_space<vmem>>[vector<16xi32>, vector<16xi32>], vector<16xi32>,
        %parallel_loop3A_112 = tpu.vector_load_idx %arg13[%parallel_loop3A_111] : memref<100352xi32, #tpu.memory_space<vmem>>[vector<16xi32>], vector<16xi32>,
        %parallel_loop3A_113 = arith.addi %mul3A_36, %parallel_loop3A_110 : vector<16xi32>
        %parallel_loop3A_114 = arith.constant -3.000000e+01 : f32
        %parallel_loop3A_115 = vector.broadcast %parallel_loop3A_114 : f32 to vector<16xf32>
        %parallel_loop3A_116 = arith.mulf %parallel_loop3A_108, %parallel_loop3A_115 : vector<16xf32>
        %parallel_loop3A_117 = arith.index_cast %parallel_loop3A_100 : i32 to index
        %parallel_loop3A_118 = tpu.vector_load %arg20[%parallel_loop3A_117] {strides = array<i32>} : memref<2000xi32, #tpu.memory_space<vmem>>, vector<16xi32>,
        %parallel_loop3A_119 = arith.constant 0 : i32
        %parallel_loop3A_120 = vector.broadcast %parallel_loop3A_119 : i32 to vector<16xi32>
        %parallel_loop3A_121 = arith.cmpi sgt, %parallel_loop3A_118, %parallel_loop3A_120 : vector<16xi32>
        tpu.vector_store_idx %arg25[%parallel_loop3A_113], %parallel_loop3A_116 masked %parallel_loop3A_121 {add = true} : memref<256xf32, #tpu.memory_space<vmem>>[vector<16xi32>], vector<16xf32>, vector<16xi1>
        %parallel_loop3A_122 = arith.addi %mul3A_36, %parallel_loop3A_112 : vector<16xi32>
        %parallel_loop3A_123 = arith.constant 3.000000e+01 : f32
        %parallel_loop3A_124 = vector.broadcast %parallel_loop3A_123 : f32 to vector<16xf32>
        %parallel_loop3A_125 = arith.mulf %parallel_loop3A_108, %parallel_loop3A_124 : vector<16xf32>
        %parallel_loop3A_126 = arith.index_cast %parallel_loop3A_100 : i32 to index
        %parallel_loop3A_127 = tpu.vector_load %arg21[%parallel_loop3A_126] {strides = array<i32>} : memref<2000xi32, #tpu.memory_space<vmem>>, vector<16xi32>,
        %parallel_loop3A_128 = arith.constant 0 : i32
        %parallel_loop3A_129 = vector.broadcast %parallel_loop3A_128 : i32 to vector<16xi32>
        %parallel_loop3A_130 = arith.cmpi sgt, %parallel_loop3A_127, %parallel_loop3A_129 : vector<16xi32>
        tpu.vector_store_idx %arg25[%parallel_loop3A_122], %parallel_loop3A_125 masked %parallel_loop3A_130 {add = true} : memref<256xf32, #tpu.memory_space<vmem>>[vector<16xi32>], vector<16xf32>, vector<16xi1>
      } {sc.loop_unroll_factor = 5 : i64, sc.parallel_access}
      %add3A_91 = arith.constant 3 : i32
      %add3A_92 = arith.addi %mul3A_51, %add3A_91 : i32
      %lt3A_93 = arith.constant 100 : i32
      %lt3A_94 = arith.cmpi slt, %add3A_92, %lt3A_93 : i32
      %convert_element_type3A_95 = arith.extui %lt3A_94 : i1 to i32
      %cond3A_96 = arith.constant 0 : i32
      %cond3A_97 = arith.cmpi ne, %convert_element_type3A_95, %cond3A_96 : i32
      scf.if %cond3A_97 {
        %add3A_98 = arith.constant 3 : i32
        %add3A_99 = arith.addi %mul3A_51, %add3A_98 : i32
        %mul3A_100 = arith.constant 200000 : i32
        %mul3A_101 = arith.muli %add3A, %mul3A_100 : i32
        %mul3A_102 = arith.constant 2000 : i32
        %mul3A_103 = arith.muli %add3A_99, %mul3A_102 : i32
        %add3A_104 = arith.addi %mul3A_101, %mul3A_103 : i32
        %multiple_of3A_105 = tpu.assume_multiple %add3A_104, 8 : i32
        %dma_start3A_106 = arith.constant 0 : i32
        %dma_start3A_107 = tpu.memref_slice %arg2[%dma_start3A_106, %multiple_of3A_105] : memref<2x6400000xi32, #tpu.memory_space<hbm>> -> memref<2x2000xi32, #tpu.memory_space<hbm>>
        %dma_start3A_108 = arith.constant 0 : i32
        %dma_start3A_109 = tpu.memref_slice %arg2[%dma_start3A_108, %multiple_of3A_105] : memref<2x6400000xi32, #tpu.memory_space<hbm>> -> memref<2x2000xi32, #tpu.memory_space<hbm>>
        tpu.enqueue_dma source(%dma_start3A_109 : memref<2x2000xi32, #tpu.memory_space<hbm>>) target(%arg18 : memref<2x2000xi32, #tpu.memory_space<vmem>>) target_semaphore(%arg28 : memref<!tpu.dma_semaphore, #tpu.memory_space<semaphore_mem>>)
        %dma_start3A_110 = tpu.memref_slice %arg3[%multiple_of3A_105] : memref<6400000xf32, #tpu.memory_space<hbm>> -> memref<2000xf32, #tpu.memory_space<hbm>>
        %dma_start3A_111 = tpu.memref_slice %arg3[%multiple_of3A_105] : memref<6400000xf32, #tpu.memory_space<hbm>> -> memref<2000xf32, #tpu.memory_space<hbm>>
        tpu.enqueue_dma source(%dma_start3A_111 : memref<2000xf32, #tpu.memory_space<hbm>>) target(%arg19 : memref<2000xf32, #tpu.memory_space<vmem>>) target_semaphore(%arg28 : memref<!tpu.dma_semaphore, #tpu.memory_space<semaphore_mem>>)
        %dma_start3A_112 = tpu.memref_slice %arg4[%multiple_of3A_105] : memref<6400000xi32, #tpu.memory_space<hbm>> -> memref<2000xi32, #tpu.memory_space<hbm>>
        %dma_start3A_113 = tpu.memref_slice %arg4[%multiple_of3A_105] : memref<6400000xi32, #tpu.memory_space<hbm>> -> memref<2000xi32, #tpu.memory_space<hbm>>
        tpu.enqueue_dma source(%dma_start3A_113 : memref<2000xi32, #tpu.memory_space<hbm>>) target(%arg20 : memref<2000xi32, #tpu.memory_space<vmem>>) target_semaphore(%arg28 : memref<!tpu.dma_semaphore, #tpu.memory_space<semaphore_mem>>)
        %dma_start3A_114 = tpu.memref_slice %arg5[%multiple_of3A_105] : memref<6400000xi32, #tpu.memory_space<hbm>> -> memref<2000xi32, #tpu.memory_space<hbm>>
        %dma_start3A_115 = tpu.memref_slice %arg5[%multiple_of3A_105] : memref<6400000xi32, #tpu.memory_space<hbm>> -> memref<2000xi32, #tpu.memory_space<hbm>>
        tpu.enqueue_dma source(%dma_start3A_115 : memref<2000xi32, #tpu.memory_space<hbm>>) target(%arg21 : memref<2000xi32, #tpu.memory_space<vmem>>) target_semaphore(%arg28 : memref<!tpu.dma_semaphore, #tpu.memory_space<semaphore_mem>>)
      } else {
      }
    }
    %scan3A_48 = arith.constant 50 : i32
    "tpu.region"() ({
      %run_scoped3A = tpu.sem_alloc : memref<!tpu.dma_semaphore, #tpu.memory_space<semaphore_mem>>
      %dma_start3A_49 = arith.constant 0 : i32
      %dma_start3A_50 = tpu.memref_slice %arg12[%add3A, %dma_start3A_49] : memref<32x256xf32, #tpu.memory_space<hbm>> -> memref<1x256xf32, #tpu.memory_space<hbm>>
      %dma_start3A_51 = tpu.memref_squeeze %dma_start3A_50 : memref<1x256xf32, #tpu.memory_space<hbm>> -> memref<256xf32, #tpu.memory_space<hbm>>
      %dma_start3A_52 = arith.constant 0 : i32
      %dma_start3A_53 = tpu.memref_slice %arg12[%add3A, %dma_start3A_52] : memref<32x256xf32, #tpu.memory_space<hbm>> -> memref<1x256xf32, #tpu.memory_space<hbm>>
      %dma_start3A_54 = tpu.memref_squeeze %dma_start3A_53 : memref<1x256xf32, #tpu.memory_space<hbm>> -> memref<256xf32, #tpu.memory_space<hbm>>
      tpu.enqueue_dma source(%arg25 : memref<256xf32, #tpu.memory_space<vmem>>) target(%dma_start3A_54 : memref<256xf32, #tpu.memory_space<hbm>>) target_semaphore(%run_scoped3A : memref<!tpu.dma_semaphore, #tpu.memory_space<semaphore_mem>>)
      %dma_wait3A = arith.constant 0 : i32
      %dma_wait3A_55 = tpu.memref_slice %arg12[%add3A, %dma_wait3A] : memref<32x256xf32, #tpu.memory_space<hbm>> -> memref<1x256xf32, #tpu.memory_space<hbm>>
      %dma_wait3A_56 = tpu.memref_squeeze %dma_wait3A_55 : memref<1x256xf32, #tpu.memory_space<hbm>> -> memref<256xf32, #tpu.memory_space<hbm>>
      %dma_wait3A_57 = arith.constant 0 : i32
      %dma_wait3A_58 = tpu.memref_slice %arg12[%add3A, %dma_wait3A_57] : memref<32x256xf32, #tpu.memory_space<hbm>> -> memref<1x256xf32, #tpu.memory_space<hbm>>
      %dma_wait3A_59 = tpu.memref_squeeze %dma_wait3A_58 : memref<1x256xf32, #tpu.memory_space<hbm>> -> memref<256xf32, #tpu.memory_space<hbm>>
      tpu.wait_dma2 semaphore(%run_scoped3A : memref<!tpu.dma_semaphore, #tpu.memory_space<semaphore_mem>>) src(%arg25 : memref<256xf32, #tpu.memory_space<vmem>>) dst(%dma_wait3A_59 : memref<256xf32, #tpu.memory_space<hbm>>)
      tpu.yield
    }) : () -> ()
    return
  }
}

module attributes {stable_mosaic.version = 14 : i64} {
  func.func @_tc_body(%arg0: memref<512x16xf32, #tpu.memory_space<vmem>>, %arg1: memref<1x16xf32, #tpu.memory_space<vmem>>, %arg2: memref<1x1xf32, #tpu.memory_space<vmem>>) attributes {dimension_semantics = [], scalar_prefetch = 0 : i64, scratch_operands = 0 : i64, tpu.core_type = #tpu.core_type<tc>} {
    %get3A = arith.constant 0 : index
    %get3A_0 = arith.constant 0 : index
    %get3A_1 = vector.load %arg0[%get3A, %get3A_0] : memref<512x16xf32, #tpu.memory_space<vmem>>, vector<512x16xf32>
    %reduce_sum3A = arith.constant dense<0.000000e+00> : vector<16xf32>
    %reduce_sum3A_2 = vector.multi_reduction <add>, %get3A_1, %reduce_sum3A [0] : vector<512x16xf32> to vector<16xf32>
    %broadcast_in_dim3A = vector.shape_cast %reduce_sum3A_2 : vector<16xf32> to vector<1x16xf32>
    %get3A_3 = arith.constant 0 : index
    %get3A_4 = arith.constant 0 : index
    %get3A_5 = vector.load %arg1[%get3A_3, %get3A_4] : memref<1x16xf32, #tpu.memory_space<vmem>>, vector<1x16xf32>
    %sub3A = arith.subf %broadcast_in_dim3A, %get3A_5 : vector<1x16xf32>
    %abs3A = math.absf %sub3A : vector<1x16xf32>
    %reduce_sum3A_6 = arith.constant dense<0.000000e+00> : vector<1xf32>
    %reduce_sum3A_7 = vector.multi_reduction <add>, %abs3A, %reduce_sum3A_6 [1] : vector<1x16xf32> to vector<1xf32>
    %broadcast_in_dim3A_8 = vector.shape_cast %reduce_sum3A_7 : vector<1xf32> to vector<1x1xf32>
    %mul3A = arith.constant 6.250000e-02 : f32
    %mul3A_9 = vector.broadcast %mul3A : f32 to vector<1x1xf32>
    %mul3A_10 = arith.mulf %broadcast_in_dim3A_8, %mul3A_9 : vector<1x1xf32>
    %swap3A = arith.constant 0 : index
    %swap3A_11 = arith.constant 0 : index
    %swap3A_12 = vector.load %arg2[%swap3A, %swap3A_11] : memref<1x1xf32, #tpu.memory_space<vmem>>, vector<1x1xf32>
    tpu.vector_store %arg2[%swap3A, %swap3A_11], %mul3A_10 {strides = array<i32>} : memref<1x1xf32, #tpu.memory_space<vmem>>, vector<1x1xf32>,
    return
  }
}

</mosaic_0001>

<sc_bundles>
// kernel: kernel.4.cloned.1.call-start
scs
__scs_entry_jumppad:
0x0: {  	(pc) =	sbr.rel $0x88, $3  }
0x1: {  	(tag) =	ssettag $0x0;
	lr =	simm.s32 $0x1  }
0x2: {  	[smem:$0x3F95] =	sst lr;
	_ =	strace $0xD0000000  }
0x3: {  	_ = 	snop  }
0x4: {  	_ = 	snop  }
0x5: {  	_ = 	snop  }
0x6: {  	_ = 	snop  }
0x7: {  	_ = 	snop  }
__scs_overlays_trampoline_lowered:
0x8: {  	[smem:$0x3FA4] =	sst s0  }
0x9: {  	[smem:$0x3FA5] =	sst s1  }
0xa: {  	[smem:$0x3FA6] =	sst s2  }
0xb: {  	[smem:$0x3FA7] =	sst s3  }
0xc: {  	[smem:$0x3FA8] =	sst s4  }
0xd: {  	[smem:$0x3FA9] =	sst s5  }
0xe: {  	[smem:$0x3FAA] =	sst s6  }
0xf: {  	[smem:$0x3FAB] =	sst s7  }
0x10: {  	[smem:$0x3FAC] =	sst s8  }
0x11: {  	[smem:$0x3FAD] =	sst s9;
	s0 =	simm.s32 @!p0 $0x0  }
0x12: {  	s1 =	sld [smem:$0x3F93];
	s0 =	simm.s32 @p0 $0x1  }
0x13: {  	[smem:$0x3FAE] =	sst s0;
	s0 =	simm.s32 @!p1 $0x0  }
0x14: {  	s2 =	sld [smem:$0x3F92];
	s0 =	simm.s32 @p1 $0x1  }
0x15: {  	[smem:$0x3FAF] =	sst s0;
	s0 =	simm.s32 @!p2 $0x0  }
0x16: {  	s3 =	sld [smem:$0x3FDB];
	s0 =	simm.s32 @p2 $0x1  }
0x17: {  	s4 =	simm.s32 $0x1BF5;
	[smem:$0x3FB1] =	sst s0  }
0x18: {  	s0 =	sld [smem:$0x3F94];
	_ =	swait.ge [sflag:s4], $0x0  }
0x19: {  	s7 =	sld [smem:$0x3F95]  }
0x1a: {  	s8 =	sadd.s32 $0xFFFFE003, lr  }
0x1b: {  	s9 =	sadd.s32 $0xFFFFFEF7, lr;
	s5 =	simm.s32 $0xFFFFFFFF;
	p2 =	slt.u32 s8, $0xFFFFF086  }
0x1c: {  	p1 =	slt.u32 s9, $0xF7A;
	s5 =	simm.s32 @!p2 $0x0  }
0x1d: {  	s5 =	simm.s32 @p1 $0x1;
	p0 =	seq.s32 s7, s2  }
0x1e: {  	s7 =	smul.u32 @!p0 $0xF7A, s2;
	p2 =	seq.s32 @!p0 s5, $0x0  }
0x1f: {  	s9 =	smul.u32 $0xF7A, s1;
	s8 =	simm.s32 @!p0 $0x1BF5;
	p2 =	por !p2, p0  }
0x20: {  	[sflag:s8] =	ssyncset.s32 @!p0 $0xFFFFF086;
	s6 =	sadd.s32 @!p0 s3, s7;
	s7 =	simm.s32 @!p0 $0x108  }
0x21: {  	s3 =	sadd.s32 s3, s9;
	s6 =	sadd.s32 @!p0 $0x88, s6;
	s7 =	simm.s32 @p2 $0x1082  }
0x22: {  	[simem:s7], [sflag:s8] =	dma.local @!p0 [hbm:s6], $0xF7A  }
0x23: {  	s9 =	sor.u32 $0xD0000000, s2;
	s6 =	simm.s32 $0x108;
	_ =	swait.ge @!p0 [sflag:s8], $0x0  }
0x24: {  	s3 =	sadd.s32 $0x88, s3;
	s6 =	simm.s32 @!p1 $0x1082;
	[sflag:s4] =	ssyncset.s32 $0xFFFFF086  }
0x25: {  	[simem:s6], [sflag:s4] =	dma.local [hbm:s3], $0xF7A  }
0x26: {  	[smem:$0x3F95] =	sst s1;
	(tag) =	ssettag s2;
	_ =	strace s9  }
0x27: {  	s1 =	sld [smem:$0x3FA5]  }
0x28: {  	s2 =	sld [smem:$0x3FA6]  }
0x29: {  	s4 =	sld [smem:$0x3FA8]  }
0x2a: {  	p0 =	seq.s32 s5, $0x0;
	s5 =	sld [smem:$0x3FA9]  }
0x2b: {  	s6 =	sld [smem:$0x3FAA]  }
0x2c: {  	s7 =	sld [smem:$0x3FAB]  }
0x2d: {  	s3 =	simm.s32 $0x108;
	s8 =	sld [smem:$0x3FAC]  }
0x2e: {  	s3 =	simm.s32 @!p0 $0x1082;
	s9 =	sld [smem:$0x3FAD]  }
0x2f: {  	lr =	sadd.s32 s0, s3;
	s0 =	sld [smem:$0x3FA4]  }
0x30: {  	s3 =	sld [smem:$0x3FA7]  }
0x31: {  	[smem:$0x3FB0] =	sst s10  }
0x32: {  	s10 =	sld [smem:$0x3FAE];
	_ =	sdelay $0x3  }
0x33: {  	p0 =	seq.s32 s10, $0x1;
	s10 =	sld [smem:$0x3FB0];
	_ =	sdelay $0x3  }
0x34: {  	[smem:$0x3FB0] =	sst s10  }
0x35: {  	s10 =	sld [smem:$0x3FAF];
	_ =	sdelay $0x3  }
0x36: {  	p1 =	seq.s32 s10, $0x1;
	s10 =	sld [smem:$0x3FB0];
	_ =	sdelay $0x3  }
0x37: {  	[smem:$0x3FB0] =	sst s10  }
0x38: {  	s10 =	sld [smem:$0x3FB1]  }
0x39: {  	_ = 	snop;
	(pc) =	sbr.ind lr, $3  }
0x3a: {  	_ = 	snop  }
0x3b: {  	_ = 	snop  }
0x3c: {  	p2 =	seq.s32 s10, $0x1;
	s10 =	sld [smem:$0x3FB0]  }
0x3d: {  	_ =	shalt  }
0x3e: {  	_ =	shalt  }
0x3f: {  	_ =	shalt  }
0x40: {  	_ =	shalt  }
0x41: {  	_ =	shalt  }
0x42: {  	_ =	shalt  }
0x43: {  	_ =	shalt  }
0x44: {  	_ =	shalt  }
0x45: {  	_ =	shalt  }
0x46: {  	_ =	shalt  }
0x47: {  	_ =	shalt  }
0x48: {  	_ =	shalt  }
0x49: {  	_ =	shalt  }
0x4a: {  	_ =	shalt  }
0x4b: {  	_ =	shalt  }
0x4c: {  	_ =	shalt  }
0x4d: {  	_ =	shalt  }
0x4e: {  	_ =	shalt  }
0x4f: {  	_ =	shalt  }
0x50: {  	_ =	shalt  }
0x51: {  	_ =	shalt  }
0x52: {  	_ =	shalt  }
0x53: {  	_ =	shalt  }
0x54: {  	_ =	shalt  }
0x55: {  	_ =	shalt  }
0x56: {  	_ =	shalt  }
0x57: {  	_ =	shalt  }
0x58: {  	_ =	shalt  }
0x59: {  	_ =	shalt  }
0x5a: {  	_ =	shalt  }
0x5b: {  	_ =	shalt  }
0x5c: {  	_ =	shalt  }
0x5d: {  	_ =	shalt  }
0x5e: {  	_ =	shalt  }
0x5f: {  	_ =	shalt  }
0x60: {  	_ =	shalt  }
0x61: {  	_ =	shalt  }
0x62: {  	_ =	shalt  }
0x63: {  	_ =	shalt  }
0x64: {  	_ =	shalt  }
0x65: {  	_ =	shalt  }
0x66: {  	_ =	shalt  }
0x67: {  	_ =	shalt  }
0x68: {  	_ =	shalt  }
0x69: {  	_ =	shalt  }
0x6a: {  	_ =	shalt  }
0x6b: {  	_ =	shalt  }
0x6c: {  	_ =	shalt  }
0x6d: {  	_ =	shalt  }
0x6e: {  	_ =	shalt  }
0x6f: {  	_ =	shalt  }
0x70: {  	_ =	shalt  }
0x71: {  	_ =	shalt  }
0x72: {  	_ =	shalt  }
0x73: {  	_ =	shalt  }
0x74: {  	_ =	shalt  }
0x75: {  	_ =	shalt  }
0x76: {  	_ =	shalt  }
0x77: {  	_ =	shalt  }
0x78: {  	_ =	shalt  }
0x79: {  	_ =	shalt  }
0x7a: {  	_ =	shalt  }
0x7b: {  	_ =	shalt  }
0x7c: {  	_ =	shalt  }
0x7d: {  	_ =	shalt  }
0x7e: {  	_ =	shalt  }
0x7f: {  	_ =	shalt  }
0x80: {  	_ =	shalt  }
0x81: {  	_ =	shalt  }
0x82: {  	_ =	shalt  }
0x83: {  	_ =	shalt  }
0x84: {  	_ =	shalt  }
0x85: {  	_ =	shalt  }
0x86: {  	_ =	shalt  }
0x87: {  	_ =	shalt  }
.Lfunc_end0:
.L_simem_size_0:
called_computation.1_lowered:
.L_overlay_start_0:
0x88: {  	s2 =	sld [smem:$0x3FD9]  }
0x89: {  	s3 =	sld [smem:$0x3FFE];
	_ =	sdelay $0x1  }
0x8a: {  	s1 =	srdreg.scid  }
0x8b: {  	s0 =	sand.u32 $0x1, s1  }
0x8c: {  	s17 =	sshll.u32 s0, $0xA;
	s2 =	sadd.s32 s3, s2  }
0x8d: {  	s2 =	sadd.s32 s2, s17  }
0x8e: {  	[smem:$0x3FBC] =	sst s2  }
0x8f: {  	_ = 	snop  }
0x90: {  	s2 =	sld [smem:$0x3FD0];
	(tm) =	ssettm $0x1  }
0x91: {  	s18 =	sld [smem:$0x3FFB];
	_ =	sdelay $0x3  }
0x92: {  	_ =	strace s18  }
0x93: {  	s3 =	sld [smem:$0x3FFC];
	_ =	sdelay $0x3  }
0x94: {  	_ =	strace s3  }
0x95: {  	s3 =	sld [smem:$0x3FFD];
	_ =	sdelay $0x3  }
0x96: {  	_ =	strace s3  }
0x97: {  	_ =	strace $0x8FFFFFFF  }
0x98: {  	s19 =	sld [smem:$0x3FDB];
	_ =	sdelay $0x1  }
0x99: {  	s4 =	simm.s32 $_scs_section_size  }
0x9a: {  	s5 =	simm.s32 $_size__tile_overlayer_lowered;
	s6 =	simm.s32 $_tile_overlayer_lowered  }
0x9b: {  	s22 =	simm.s32 $0x1BFF;
	s21 =	sshll.u32 s6, $0x1;
	s3 =	sadd.s32 s4, s19  }
0x9c: {  	s7 =	simm.s32 $0x0;
	s20 =	sshll.u32 s5, $0x1;
	s5 =	sadd.s32 s21, s3  }
0x9d: {  	[timem:s7], [sflag:s22] =	dma.local [hbm:s5], s20  }
0x9e: {  	_ =	swait.ge [sflag:s22], s20  }
0x9f: {  	s4 =	ssub.s32 $0x0, s20;
	[sflag:s22] =	ssyncset.done $0x0  }
0xa0: {  	[sflag:s22] =	ssyncadd.s32 s4;
	_ =	sdelay $0x1  }
0xa1: {  	s23 =	simm.s32 $0x1B8B  }
0xa2: {  	_ =	swait.ge [sflag:s23], $0x1  }
0xa3: {  	[sflag:s23] =	ssyncset.done $0x0  }
0xa4: {  	s25 =	simm.s32 $0x1B8E;
	s24 =	sld [smem:$0x3FFE];
	[sflag:s23] =	ssyncadd.s32 $0xFFFFFFFF  }
0xa5: {  	s26 =	simm.s32 $execute0_lowered;
	[smem:$0x3FD2] =	sst s25  }
0xa6: {  	s5 =	sshll.u32 s26, $0x1;
	_ =	strace $0x80000049;
	[dreg:$0x1] =	wrdreg $0xFFFFFFFF  }
0xa7: {  	s28 =	simm.s32 $_size_execute0_lowered;
	s3 =	sadd.s32 s3, s5;
	[dreg:$0x0] =	wrdreg $0x0  }
0xa8: {  	s5 =	sshll.u32 s28, $0x1;
	[dreg:$0x2] =	wrdreg s3  }
0xa9: {  	[dreg:$0x3] =	wrdreg s5  }
0xaa: {  	[dreg:$0x4] =	wrdreg $0xC0  }
0xab: {  	_ =	task [dreg:s7], $0x5FFFF  }
0xac: {  	[dreg:$0x1] =	wrdreg $0xFFFFFFFF  }
0xad: {  	[dreg:$0x0] =	wrdreg $0x60  }
0xae: {  	[dreg:$0x2] =	wrdreg s24  }
0xaf: {  	[dreg:$0x3] =	wrdreg s2  }
0xb0: {  	[dreg:$0x4] =	wrdreg $0x9  }
0xb1: {  	_ =	task.clear_ibuf [dreg:s7], $0x5FFFF;
	_ =	strace $0x90000049  }
0xb2: {  	s29 =	simm.s32 $0x9;
	_ =	strace $0x8000004B  }
0xb3: {  	_ =	swait.ge [sflag:s29], $0x1  }
0xb4: {  	[sflag:s29] =	ssyncadd.s32 $0xFFFFFFFF  }
0xb5: {  	_ =	strace $0x9000004B  }
0xb6: {  	_ =	sfence  }
0xb7: {  	s30 =	sld [smem:$0x0];
	_ =	sdelay $0x2  }
0xb8: {  	s31 =	sshll.u32 s1, $0xD;
	s1 =	sshrl.u32 s1, $0x2  }
0xb9: {  	s3 =	sand.u32 $0x4000, s31;
	s1 =	sadd.s32 s1, s30  }
0xba: {  	s0 =	sor.u32 s3, s0;
	s1 =	sshll.u32 s1, $0x11  }
0xbb: {  	s0 =	sor.u32 s1, s0  }
0xbc: {  	s0 =	sadd.s32 $0x8F2B, s0  }
0xbd: {  	[sflag:s0] =	ssyncadd.remote.s32 $0x1  }
0xbe: {  	_ =	sfence.sel $0xFFFF  }
0xbf: {  	[dreg:$0x0] =	wrdreg $0xFFFFFFFF;
	(pc) =	sbr.abs _section_cstart, $3  }
0xc0: {  	[dreg:$0x1] =	wrdreg $0xFFFFFFFF  }
0xc1: {  	_ =	task.clear_ibuf [dreg:s7], $0x2FFFF;
	_ =	strace $0x9FFFFFFF  }
0xc2: {  	(tm) =	ssettm $0x7FFFFFFF  }
0xc3: {  	_ =	shalt  }
tec
execute0_lowered:
.L_overlay_start_1:
0x0: {  	(tag) =	ssettag $0x1  }
0x1: {  	s0 =	rddreg [dreg:$0x0]  }
0x2: {  	s1 =	srdreg.scid;
	s13 =	stileid.u32  }
0x3: {  	s3 =	simm.s32 $0x0;
	s28 =	simm.s32 $0x61A800;
	s29 =	simm.s32 $0x18800  }
0x4: {  	s30 =	simm.s32 $0x1C680;
	s31 =	simm.s32 $0x1CE50;
	s1 =	sand.u32 $0x1, s1  }
0x5: {  	[smem:$0x7FF] =	sst s3;
	s4 =	sadd.s32 $0x1400, s0;
	s5 =	sadd.s32 $0x18E200, s0  }
0x6: {  	s2 =	sshll.u32 s13, $0x1;
	s6 =	sadd.s32 $0x251800, s0;
	s10 =	sadd.s32 $0x3D8400, s0  }
0x7: {  	s24 =	sadd.s32 $0x3DE800, s0;
	s20 =	smul.u32 $0x6200, s13;
	s2 =	sor.u32 s1, s2  }
0x8: {  	_ =	strace $0x8000004A;
	s25 =	ssub.s32 $0x2, s1;
	s1 =	smul.u32 $0x3100, s1  }
0x9: {  	[dreg:$0x3] =	wrdreg s10;
	s9 =	smul.u32 $0x30D40, s2;
	s11 =	sshrl.u32 s25, $0x1  }
0xa: {  	[dreg:$0x4] =	wrdreg s24;
	s7 =	smul.u32 $0xC40, s2;
	s26 =	ssub.s32 s25, s11  }
0xb: {  	s2 =	sshll.u32 s2, $0x5;
	s12 =	sshrl.u32 s9, $0x3;
	s26 =	smax.u32 s26, $0x1  }
0xc: {  	s1 =	sadd.s32 s1, s20;
	s14 =	sadd.s32 s4, s12;
	[dreg:$0x11] =	wrdreg s26  }
0xd: {  	s8 =	sshrl.u32 s7, $0x3;
	s15 =	sadd.s32 s5, s12;
	[dreg:$0x5] =	wrdreg s14  }
0xe: {  	s7 =	sadd.s32 $0x314E00, s0;
	s16 =	sadd.s32 s6, s12;
	[dreg:$0x6] =	wrdreg s15  }
0xf: {  	s17 =	sadd.s32 $0xFA, s12;
	s18 =	sadd.s32 s7, s12;
	[dreg:$0x7] =	wrdreg s16  }
0x10: {  	s11 =	simm.s32 $0x0;
	[dreg:$0x8] =	wrdreg s18;
	s19 =	sadd.s32 s4, s17  }
0x11: {  	s25 =	sor.u32 $0x80, s1;
	s21 =	sadd.s32 s5, s17;
	[dreg:$0x9] =	wrdreg s19  }
0x12: {  	s1 =	simm.s32 $0x3;
	s22 =	sadd.s32 s6, s17;
	[dreg:$0xa] =	wrdreg s21  }
0x13: {  	s8 =	sadd.s32 s8, s0;
	s10 =	sadd.s32 s7, s17;
	[dreg:$0xb] =	wrdreg s22  }
0x14: {  	s0 =	sadd.s32 s2, s0;
	s23 =	sadd.s32 $0x18B000, s8;
	[dreg:$0xc] =	wrdreg s10  }
0x15: {  	s26 =	simm.s32 $0x7D0;
	s24 =	sadd.s32 $0x187E00, s8;
	[dreg:$0xd] =	wrdreg s23  }
.Ltmp0:
0x16: {  	s8 =	sadd.s32 $0x3DB600, s8;
	[dreg:$0xe] =	wrdreg s24;
	(pc) =	sbr.rel .LBB2_1-.Ltmp0, $4  }
0x17: {  	s2 =	simm.s32 $0x1BEB0;
	s0 =	sadd.s32 $0x3DEA00, s0;
	[dreg:$0xf] =	wrdreg s8  }
0x18: {  	v0 =	vlaneseq.u32;
	s21 =	sadd.s32 $0xFA0, s9;
	s22 =	sadd.s32 $0x1770, s9;
	[dreg:$0x10] =	wrdreg s0  }
0x19: {  	v1 =	vmul.u32 $0x10, v0;
	s0 =	sshrl.u32 s25, $0x2;
	s8 =	simm.s32 $0x1FAE0;
	s9 =	simm.s32 $0x1  }
0x1a: {  	v2 =	vor.u32 $0x7D0, v0;
	s10 =	simm.s32 $0x2;
	[dreg:$0x12] =	wrdreg s0;
	s0 =	simm.s32 $0x1AF10  }
.LBB2_10:
0x1b: {  	s12 =	rddreg [dreg:$0x10]  }
0x1c: {  	[hbm4b:s12+s3] =	stream.linear.scatter [tilespmem:s8], [sflag:$0x3], $0x100, $0x38;
	[tilespmem:$0x1FC10] =	vst v63  }
0x1d: {  	_ =	swait.ge [sflag:s1], $0x100  }
0x1e: {  	s11 =	sadd.s32 $0x1, s11;
	s25 =	rddreg [dreg:$0x11]  }
0x1f: {  	p0 =	sne.s32 s11, s25  }
.Ltmp1:
0x20: {  	_ = 	snop;
	(pc) =	sbr.rel @!p0 .LBB2_11-.Ltmp1, $3  }
0x21: {  	_ =	sdelay $0x1  }
0x22: {  	[sflag:s1] =	ssyncset.done $0x0  }
0x23: {  	[sflag:s1] =	ssyncadd.s32 $0xFFFFFF00  }
.LBB2_1:
0x24: {  	s12 =	rddreg [dreg:$0x5]  }
0x25: {  	[tilespmem:s29], [sflag:$0x1] =	stream.strided.gather [hbm4b:s12+s26], $0xFA0, s28, s26, $0x38;
	[tilespmem:$0x1FC10] =	vst v63  }
0x26: {  	s15 =	rddreg [dreg:$0x6];
	s13 =	simm.s32 $0x197A0  }
0x27: {  	[tilespmem:s13], [sflag:$0x1] =	stream.linear.gather [hbm4b:s15+s3], $0x7D0, $0x38;
	[tilespmem:$0x1FC10] =	vst v63  }
0x28: {  	s16 =	rddreg [dreg:$0x7];
	s17 =	simm.s32 $0x19F70  }
0x29: {  	[tilespmem:s17], [sflag:$0x1] =	stream.linear.gather [hbm4b:s16+s3], $0x7D0, $0x38;
	[tilespmem:$0x1FC10] =	vst v63  }
0x2a: {  	s18 =	rddreg [dreg:$0x8];
	s19 =	simm.s32 $0x1A740  }
0x2b: {  	[tilespmem:s19], [sflag:$0x1] =	stream.linear.gather [hbm4b:s18+s3], $0x7D0, $0x38;
	[tilespmem:$0x1FC10] =	vst v63  }
0x2c: {  	s20 =	rddreg [dreg:$0x9]  }
0x2d: {  	[tilespmem:s0], [sflag:$0x2] =	stream.strided.gather [hbm4b:s20+s26], $0xFA0, s28, s26, $0x38;
	[tilespmem:$0x1FC10] =	vst v63  }
0x2e: {  	s23 =	rddreg [dreg:$0xa]  }
0x2f: {  	[tilespmem:s2], [sflag:$0x2] =	stream.linear.gather [hbm4b:s23+s3], $0x7D0, $0x38;
	[tilespmem:$0x1FC10] =	vst v63  }
0x30: {  	s24 =	rddreg [dreg:$0xb]  }
0x31: {  	[tilespmem:s30], [sflag:$0x2] =	stream.linear.gather [hbm4b:s24+s3], $0x7D0, $0x38;
	[tilespmem:$0x1FC10] =	vst v63  }
0x32: {  	s25 =	rddreg [dreg:$0xc]  }
0x33: {  	[tilespmem:s31], [sflag:$0x2] =	stream.linear.gather [hbm4b:s25+s3], $0x7D0, $0x38;
	[tilespmem:$0x1FC10] =	vst v63  }
0x34: {  	s13 =	rddreg [dreg:$0x3]  }
0x35: {  	[tilespmem:s3], [sflag:$0x3] =	stream.linear.gather [hbm4b:s13+s3], $0x18800, $0x38;
	[tilespmem:$0x1FC10] =	vst v63  }
0x36: {  	_ =	swait.ge [sflag:s1], $0x18800  }
0x37: {  	[sflag:s1] =	ssyncset.done $0x0  }
0x38: {  	[sflag:s1] =	ssyncadd.s32 $0xFFFE7800  }
0x39: {  	s15 =	simm.s32 $0x1FBE0;
	s14 =	rddreg [dreg:$0x1]  }
0x3a: {  	[tilespmem:s15], [sflag:$0x3] =	stream.linear.gather [hbm4b:s14+s3], $0x30, $0x38;
	[tilespmem:$0x1FC10] =	vst v63  }
0x3b: {  	_ =	swait.ge [sflag:s1], $0x30  }
0x3c: {  	[sflag:s1] =	ssyncset.done $0x0  }
0x3d: {  	s16 =	rddreg [dreg:$0x4];
	[sflag:s1] =	ssyncadd.s32 $0xFFFFFFD0  }
0x3e: {  	[tilespmem:s8], [sflag:$0x3] =	stream.linear.gather [hbm4b:s16+s3], $0x100, $0x38;
	[tilespmem:$0x1FC10] =	vst v63  }
0x3f: {  	_ =	swait.ge [sflag:s1], $0x100  }
0x40: {  	[sflag:s1] =	ssyncset.done $0x0  }
0x41: {  	[sflag:s1] =	ssyncadd.s32 $0xFFFFFF00  }
0x42: {  	v3 =	vld [tilespmem:$0x1FBE0]  }
0x43: {  	s18 =	simm.s32 $0x1D620;
	s17 =	rddreg [dreg:$0xd];
	v4 =	vld [tilespmem:$0x1FBF0]  }
0x44: {  	v5 =	vld [tilespmem:$0x1FC00];
	[tilespmem:s18], [sflag:$0x3] =	stream.linear.gather [hbm4b:s17+s3], $0xC40, $0x38  }
0x45: {  	_ =	swait.ge [sflag:s1], $0xC40  }
0x46: {  	[sflag:s1] =	ssyncset.done $0x0  }
0x47: {  	s20 =	simm.s32 $0x1E260;
	s19 =	rddreg [dreg:$0xe];
	[sflag:s1] =	ssyncadd.s32 $0xFFFFF3C0  }
0x48: {  	[tilespmem:s20], [sflag:$0x3] =	stream.linear.gather [hbm4b:s19+s3], $0xC40, $0x38;
	[tilespmem:$0x1FC10] =	vst v63  }
0x49: {  	_ =	swait.ge [sflag:s1], $0xC40  }
0x4a: {  	[sflag:s1] =	ssyncset.done $0x0  }
0x4b: {  	s24 =	simm.s32 $0x1EEA0;
	s23 =	rddreg [dreg:$0xf];
	[sflag:s1] =	ssyncadd.s32 $0xFFFFF3C0  }
0x4c: {  	[tilespmem:s24], [sflag:$0x3] =	stream.linear.gather [hbm4b:s23+s3], $0xC40, $0x38;
	[tilespmem:$0x1FC10] =	vst v63  }
0x4d: {  	_ =	swait.ge [sflag:s1], $0xC40  }
0x4e: {  	[sflag:s1] =	ssyncset.done $0x0  }
0x4f: {  	s25 =	simm.s32 $0x1E280;
	[sflag:s1] =	ssyncadd.s32 $0xFFFFF3C0  }
0x50: {  	s13 =	simm.s32 $0x1D640;
	v6 =	vld [tilespmem:s25+$0x10]  }
0x51: {  	s17 =	rddreg [dreg:$0x12];
	v7 =	vld [tilespmem:s13+$0x10]  }
0x52: {  	s14 =	simm.s32 $0x1EEC0;
	v8 =	vld [tilespmem:s17+$0x10]  }
0x53: {  	v9 =	vld [tilespmem:s14+$0x10]  }
0x54: {  	v10 =	vld [tilespmem:s25+$0xFFFFFFE0]  }
0x55: {  	v11 =	vld [tilespmem:s13+$0xFFFFFFE0]  }
0x56: {  	v12 =	vld [tilespmem:s25+$0xFFFFFFF0]  }
0x57: {  	v13 =	vld [tilespmem:s13+$0xFFFFFFF0]  }
0x58: {  	v14 =	vld [tilespmem:s25+$0x0];
	v6 =	vsub.f32 v6, v7  }
0x59: {  	v7 =	vld [tilespmem:s14+$0xFFFFFFE0];
	v8 =	vadd.s32 v1, v8  }
0x5a: {  	v15 =	vld [tilespmem:s13+$0x0];
	v9 =	vsub.f32 $1.000000000e+00, v9;
	v6 =	vmul.f32 v6, v5  }
0x5b: {  	v16 =	vld [tilespmem:s14+$0xFFFFFFF0]  }
0x5c: {  	v17 =	vld [tilespmem:s14+$0x0];
	v10 =	vsub.f32 v10, v11;
	v6 =	vmul.f32 v9, v6  }
0x5d: {  	v18 =	vld [tilespmem:s17+$0xFFFFFFF0];
	v9 =	vsub.f32 v12, v13  }
0x5e: {  	v10 =	vmul.f32 v10, v5;
	v7 =	vsub.f32 $1.000000000e+00, v7;
	[tilespmem:v8+s8+$0x0] =	vst.idx.add.f32.msk $0xffff, v6  }
0x5f: {  	v8 =	vmul.f32 v9, v5;
	v9 =	vld [tilespmem:s17+$0x0]  }
0x60: {  	v11 =	vsub.f32 v14, v15;
	v12 =	vsub.f32 $1.000000000e+00, v16;
	v6 =	vmul.f32 v7, v10;
	v10 =	vld [tilespmem:s17+$0xFFFFFFE0];
	_ =	sdelay $0x1  }
0x61: {  	v11 =	vmul.f32 v11, v5;
	v7 =	vmul.f32 v12, v8;
	v12 =	vsub.f32 $1.000000000e+00, v17  }
0x62: {  	s15 =	simm.s32 $0x0;
	s16 =	simm.s32 $0x1E2C0;
	v8 =	vadd.s32 v1, v18  }
.LBB2_2:
0x63: {  	v13 =	vld [tilespmem:s16+$0x10];
	v14 =	vmul.f32 v12, v11;
	v15 =	vadd.s32 v1, v9;
	s13 =	sadd.s32 $0x40, s13  }
0x64: {  	s15 =	sadd.s32 $0x4, s15;
	s17 =	sadd.s32 $0x40, s17;
	v9 =	vld [tilespmem:s13+$0x10];
	v12 =	vadd.s32 v1, v10  }
0x65: {  	s14 =	sadd.s32 $0x40, s14;
	p0 =	slt.u32 s15, $0xC0;
	v10 =	vld [tilespmem:s17+$0x10]  }
0x66: {  	v11 =	vld [tilespmem:s14+$0x10]  }
0x67: {  	v16 =	vld [tilespmem:s16+$0xFFFFFFE0]  }
0x68: {  	v17 =	vld [tilespmem:s13+$0xFFFFFFE0]  }
0x69: {  	v18 =	vld [tilespmem:s16+$0xFFFFFFF0];
	v9 =	vsub.f32 v13, v9  }
0x6a: {  	v13 =	vld [tilespmem:s13+$0xFFFFFFF0];
	v10 =	vadd.s32 v1, v10  }
0x6b: {  	v19 =	vld [tilespmem:s16+$0x0];
	v9 =	vmul.f32 v9, v5;
	v11 =	vsub.f32 $1.000000000e+00, v11  }
0x6c: {  	v20 =	vld [tilespmem:s13+$0x0]  }
0x6d: {  	v16 =	vsub.f32 v16, v17;
	v17 =	vld [tilespmem:s14+$0xFFFFFFE0];
	v9 =	vmul.f32 v11, v9  }
0x6e: {  	v11 =	vld [tilespmem:s14+$0xFFFFFFF0]  }
0x6f: {  	s12 =	simm.s32 $0x0;
	v16 =	vmul.f32 v16, v5;
	v13 =	vsub.f32 v18, v13;
	[tilespmem:v10+s8+$0x0] =	vst.idx.add.f32.msk $0xffff, v9  }
0x70: {  	v18 =	vld [tilespmem:s14+$0x0]  }
0x71: {  	v21 =	vld [tilespmem:s17+$0xFFFFFFF0];
	v13 =	vmul.f32 v13, v5;
	v19 =	vsub.f32 v19, v20  }
.Ltmp2:
0x72: {  	v17 =	vsub.f32 $1.000000000e+00, v17;
	v9 =	vld [tilespmem:s17+$0x0];
	(pc) =	sbr.rel @p0 .LBB2_2-.Ltmp2, $4  }
0x73: {  	v10 =	vld [tilespmem:s17+$0xFFFFFFE0];
	v20 =	vsub.f32 $1.000000000e+00, v11;
	v11 =	vmul.f32 v19, v5  }
0x74: {  	[tilespmem:v12+s8+$0x0] =	vst.idx.add.f32.msk $0xffff, v6;
	v6 =	vmul.f32 v17, v16  }
0x75: {  	v12 =	vsub.f32 $1.000000000e+00, v18;
	[tilespmem:v8+s8+$0x0] =	vst.idx.add.f32.msk $0xffff, v7;
	v7 =	vmul.f32 v20, v13  }
0x76: {  	s16 =	sadd.s32 $0x40, s16;
	v8 =	vadd.s32 v1, v21;
	[tilespmem:v15+s8+$0x0] =	vst.idx.add.f32.msk $0xffff, v14  }
0x77: {  	v9 =	vadd.s32 v1, v9  }
0x78: {  	v5 =	vadd.s32 v1, v10;
	_ =	sdelay $0x1  }
0x79: {  	v63 =	vmul.f32 v12, v11  }
0x7a: {  	[tilespmem:v8+s8+$0x0] =	vst.idx.add.f32.msk $0xffff, v7  }
0x7b: {  	[tilespmem:v9+s8+$0x0] =	vst.idx.add.f32.msk $0xffff, v63  }
0x7c: {  	s13 =	simm.s32 $0x0;
	[tilespmem:v5+s8+$0x0] =	vst.idx.add.f32.msk $0xffff, v6  }
.LBB2_4:
0x7d: {  	_ =	swait.ge [sflag:s9], $0xFA0  }
0x7e: {  	[sflag:s9] =	ssyncset.done $0x0  }
0x7f: {  	[sflag:s9] =	ssyncadd.s32 $0xFFFFF060  }
0x80: {  	_ =	swait.ge [sflag:s9], $0x7D0  }
0x81: {  	[sflag:s9] =	ssyncset.done $0x0  }
0x82: {  	[sflag:s9] =	ssyncadd.s32 $0xFFFFF830  }
0x83: {  	_ =	swait.ge [sflag:s9], $0x7D0  }
0x84: {  	[sflag:s9] =	ssyncset.done $0x0  }
0x85: {  	[sflag:s9] =	ssyncadd.s32 $0xFFFFF830  }
0x86: {  	_ =	swait.ge [sflag:s9], $0x7D0  }
0x87: {  	[sflag:s9] =	ssyncset.done $0x0  }
0x88: {  	s15 =	simm.s32 $0x197C0;
	[sflag:s9] =	ssyncadd.s32 $0xFFFFF830  }
0x89: {  	s14 =	simm.s32 $0x19F90;
	v5 =	vld [tilespmem:s15+$0x10]  }
0x8a: {  	s16 =	simm.s32 $0x10;
	v6 =	vld [tilespmem:s14+$0x0]  }
0x8b: {  	v7 =	vadd.s32 s16, v2;
	v9 =	vld [tilespmem:s14+$0xFFFFFFE0]  }
0x8c: {  	s24 =	simm.s32 $0x20;
	v8 =	vor.u32 s16, v0;
	v10 =	vld [tilespmem:s15+$0xFFFFFFE0]  }
0x8d: {  	s17 =	simm.s32 $0x30;
	v11 =	vor.u32 s24, v0;
	v12 =	vld [tilespmem:s15+$0x0]  }
0x8e: {  	v13 =	vor.u32 s17, v0;
	v14 =	vld [tilespmem:s15+$0xFFFFFFF0]  }
0x8f: {  	v15 =	vadd.s32 s24, v2;
	v16 =	vld [tilespmem:s14+$0xFFFFFFF0]  }
0x90: {  	s25 =	simm.s32 $0x40;
	v17 =	vadd.s32 s17, v2;
	v7 =	vld.idx.msk [tilespmem:v7+s29+$0x0], $0xffff  }
0x91: {  	v18 =	vadd.s32 s25, v2;
	v8 =	vld.idx.msk [tilespmem:v8+s29+$0x0], $0xffff  }
0x92: {  	v11 =	vld.idx.msk [tilespmem:v11+s29+$0x0], $0xffff  }
0x93: {  	v19 =	vor.u32 s12, v0;
	v13 =	vld.idx.msk [tilespmem:v13+s29+$0x0], $0xffff  }
0x94: {  	v15 =	vld.idx.msk [tilespmem:v15+s29+$0x0], $0xffff  }
0x95: {  	v17 =	vld.idx.msk [tilespmem:v17+s29+$0x0], $0xffff  }
0x96: {  	v22 =	vor.u32 s25, v0;
	v18 =	vld.idx.msk [tilespmem:v18+s29+$0x0], $0xffff  }
0x97: {  	v23 =	vadd.s32 s12, v2;
	v20 =	vld [tilespmem:s14+$0x10]  }
0x98: {  	v19 =	vld.idx.msk [tilespmem:v19+s29+$0x0], $0xffff  }
0x99: {  	v21 =	vld.idx.msk [tilespmem:v7+s3+$0x0], $0xffff  }
0x9a: {  	v7 =	vld.idx.msk [tilespmem:v8+s3+$0x0], $0xffff  }
0x9b: {  	vm0 =	vgt.s32 v16, $0x0;
	v16 =	vld.idx.msk [tilespmem:v22+s29+$0x0], $0xffff  }
0x9c: {  	vm1 =	vgt.s32 v20, $0x0;
	v20 =	vld.idx.msk [tilespmem:v23+s29+$0x0], $0xffff  }
0x9d: {  	v13 =	vld.idx.msk [tilespmem:v13+s3+$0x0], $0xffff  }
0x9e: {  	v8 =	vmul.f32 v14, v3;
	v24 =	vld.idx.msk [tilespmem:v18+s3+$0x0], $0xffff  }
0x9f: {  	v14 =	vld.idx.msk [tilespmem:v11+s3+$0x0], $0xffff;
	v7 =	vadd.s32 v1, v7  }
0xa0: {  	v18 =	vld.idx.msk [tilespmem:v19+s3+$0x0], $0xffff;
	v8 =	vadd.f32 v8, v4  }
0xa1: {  	v5 =	vmul.f32 v5, v3;
	v15 =	vld.idx.msk [tilespmem:v15+s3+$0x0], $0xffff  }
0xa2: {  	v17 =	vld.idx.msk [tilespmem:v17+s3+$0x0], $0xffff;
	v19 =	vmul.f32 $-3.000000000e+01, v8;
	v13 =	vadd.s32 v1, v13  }
0xa3: {  	v5 =	vadd.f32 v5, v4;
	v11 =	vld [tilespmem:s14+$0x20]  }
0xa4: {  	v12 =	vmul.f32 v12, v3;
	[tilespmem:v7+s8+$0x0] =	vst.idx.add.f32.msk vm0, v19;
	vm0 =	vgt.s32 v6, $0x0  }
0xa5: {  	v14 =	vadd.s32 v1, v14;
	v63 =	vadd.s32 v1, v18;
	v18 =	vld.idx.msk [tilespmem:v16+s3+$0x0], $0xffff;
	v6 =	vmul.f32 $-3.000000000e+01, v5  }
0xa6: {  	v16 =	vld [tilespmem:s15+$0x20];
	v7 =	vadd.f32 v12, v4  }
0xa7: {  	s14 =	simm.s32 $0x1A760;
	[tilespmem:v13+s8+$0x0] =	vst.idx.add.f32.msk vm1, v6;
	v6 =	vmul.f32 v10, v3;
	vm1 =	vgt.s32 v9, $0x0  }
0xa8: {  	v19 =	vld [tilespmem:s14+$0xFFFFFFF0];
	v9 =	vmul.f32 $-3.000000000e+01, v7  }
0xa9: {  	v12 =	vld [tilespmem:s14+$0x10];
	v6 =	vadd.f32 v6, v4  }
0xaa: {  	[tilespmem:v14+s8+$0x0] =	vst.idx.add.f32.msk vm0, v9  }
0xab: {  	v14 =	vld.idx.msk [tilespmem:v20+s3+$0x0], $0xffff;
	v20 =	vmul.f32 $-3.000000000e+01, v6  }
0xac: {  	s18 =	simm.s32 $0x19810;
	s19 =	simm.s32 $0x1A760;
	v10 =	vadd.s32 v1, v17;
	v13 =	vadd.s32 v1, v15;
	v17 =	vld [tilespmem:s14+$0x0]  }
0xad: {  	s16 =	simm.s32 $0x50;
	s17 =	simm.s32 $0x19FE0;
	s15 =	simm.s32 $0x0;
	v15 =	vadd.s32 v1, v21;
	v9 =	vadd.s32 v1, v24;
	vm0 =	vgt.s32 v19, $0x0;
	[tilespmem:v63+s8+$0x0] =	vst.idx.add.f32.msk vm1, v20  }
.LBB2_5:
0xae: {  	v19 =	vor.u32 s16, v0;
	s20 =	sadd.s32 $0x10, s16;
	s15 =	sadd.s32 $0x5, s15;
	v20 =	vld [tilespmem:s14+$0xFFFFFFE0];
	v18 =	vadd.s32 v1, v18;
	s19 =	sadd.s32 $0x50, s19  }
0xaf: {  	s23 =	sadd.s32 $0x20, s16;
	v21 =	vor.u32 s20, v0;
	v22 =	vld [tilespmem:s18+$0x10];
	p0 =	slt.u32 s15, $0x78  }
0xb0: {  	s24 =	sadd.s32 $0x30, s16;
	v23 =	vor.u32 s23, v0;
	v24 =	vld [tilespmem:s17+$0x0]  }
0xb1: {  	s25 =	sadd.s32 $0x40, s16;
	v8 =	vmul.f32 $3.000000000e+01, v8;
	v26 =	vor.u32 s24, v0;
	v25 =	vld [tilespmem:s17+$0xFFFFFFE0];
	vm2 =	vgt.s32 v17, $0x0  }
0xb2: {  	v16 =	vmul.f32 v16, v3;
	vm3 =	vgt.s32 v11, $0x0;
	v27 =	vor.u32 s25, v0;
	v17 =	vld [tilespmem:s18+$0xFFFFFFE0]  }
0xb3: {  	v28 =	vadd.s32 s23, v2;
	v11 =	vld [tilespmem:s18+$0x0];
	vm1 =	vgt.s32 v20, $0x0  }
0xb4: {  	v20 =	vadd.s32 s20, v2;
	v22 =	vmul.f32 v22, v3;
	[tilespmem:v15+s8+$0x0] =	vst.idx.add.f32.msk vm0, v8;
	v15 =	vadd.f32 v16, v4  }
0xb5: {  	v7 =	vmul.f32 $3.000000000e+01, v7;
	v14 =	vadd.s32 v1, v14;
	v16 =	vadd.s32 s16, v2;
	v8 =	vld [tilespmem:s18+$0xFFFFFFF0]  }
0xb6: {  	v29 =	vld [tilespmem:s17+$0xFFFFFFF0];
	v22 =	vadd.f32 v22, v4;
	v30 =	vmul.f32 $-3.000000000e+01, v15  }
0xb7: {  	v17 =	vmul.f32 v17, v3;
	[tilespmem:v13+s8+$0x0] =	vst.idx.add.f32.msk vm2, v7  }
0xb8: {  	vm0 =	vgt.s32 v12, $0x0;
	v7 =	vmul.f32 v11, v3;
	[tilespmem:v18+s8+$0x0] =	vst.idx.add.f32.msk vm3, v30  }
0xb9: {  	v11 =	vadd.f32 v17, v4;
	v12 =	vld [tilespmem:s14+$0x20];
	s14 =	smov.u32 s19  }
0xba: {  	v8 =	vmul.f32 v8, v3;
	v13 =	vld.idx.msk [tilespmem:v21+s29+$0x0], $0xffff;
	v7 =	vadd.f32 v7, v4  }
0xbb: {  	v18 =	vadd.s32 s24, v2;
	v17 =	vld.idx.msk [tilespmem:v23+s29+$0x0], $0xffff  }
0xbc: {  	v21 =	vmul.f32 $3.000000000e+01, v5;
	v5 =	vmov v22;
	v8 =	vadd.f32 v8, v4;
	v20 =	vld.idx.msk [tilespmem:v20+s29+$0x0], $0xffff  }
0xbd: {  	v23 =	vadd.s32 s25, v2;
	v22 =	vld [tilespmem:s17+$0x10]  }
0xbe: {  	[tilespmem:v10+s8+$0x0] =	vst.idx.add.f32.msk vm0, v21;
	vm0 =	vgt.s32 v12, $0x0  }
0xbf: {  	v12 =	vmul.f32 $3.000000000e+01, v6;
	v6 =	vmov v11;
	v10 =	vld.idx.msk [tilespmem:v26+s29+$0x0], $0xffff  }
0xc0: {  	v11 =	vld.idx.msk [tilespmem:v28+s29+$0x0], $0xffff  }
0xc1: {  	[tilespmem:v14+s8+$0x0] =	vst.idx.add.f32.msk vm1, v12  }
0xc2: {  	v14 =	vmul.f32 $3.000000000e+01, v15;
	v12 =	vld.idx.msk [tilespmem:v18+s29+$0x0], $0xffff  }
0xc3: {  	v15 =	vld.idx.msk [tilespmem:v23+s29+$0x0], $0xffff  }
0xc4: {  	[tilespmem:v9+s8+$0x0] =	vst.idx.add.f32.msk vm0, v14  }
0xc5: {  	v20 =	vld.idx.msk [tilespmem:v20+s3+$0x0], $0xffff  }
0xc6: {  	vm0 =	vgt.s32 v22, $0x0;
	v9 =	vld.idx.msk [tilespmem:v13+s3+$0x0], $0xffff  }
0xc7: {  	v13 =	vld.idx.msk [tilespmem:v19+s29+$0x0], $0xffff  }
0xc8: {  	v10 =	vld.idx.msk [tilespmem:v10+s3+$0x0], $0xffff  }
0xc9: {  	v14 =	vld.idx.msk [tilespmem:v11+s3+$0x0], $0xffff  }
0xca: {  	v12 =	vld.idx.msk [tilespmem:v12+s3+$0x0], $0xffff  }
0xcb: {  	vm1 =	vgt.s32 v29, $0x0;
	v15 =	vld.idx.msk [tilespmem:v15+s3+$0x0], $0xffff  }
0xcc: {  	v9 =	vadd.s32 v1, v9;
	v17 =	vld.idx.msk [tilespmem:v17+s3+$0x0], $0xffff  }
0xcd: {  	v18 =	vld.idx.msk [tilespmem:v27+s29+$0x0], $0xffff  }
0xce: {  	v10 =	vadd.s32 v1, v10;
	v11 =	vld [tilespmem:s17+$0x20]  }
0xcf: {  	v19 =	vld.idx.msk [tilespmem:v13+s3+$0x0], $0xffff;
	v13 =	vmul.f32 $-3.000000000e+01, v8  }
0xd0: {  	v21 =	vld.idx.msk [tilespmem:v16+s29+$0x0], $0xffff  }
0xd1: {  	[tilespmem:v9+s8+$0x0] =	vst.idx.add.f32.msk vm1, v13;
	vm1 =	vgt.s32 v24, $0x0;
	v9 =	vmul.f32 $-3.000000000e+01, v5  }
0xd2: {  	v17 =	vadd.s32 v1, v17;
	v22 =	vld [tilespmem:s19+$0xFFFFFFF0]  }
0xd3: {  	[tilespmem:v10+s8+$0x0] =	vst.idx.add.f32.msk vm0, v9;
	v10 =	vadd.s32 v1, v12  }
0xd4: {  	vm2 =	vgt.s32 v25, $0x0;
	v13 =	vadd.s32 v1, v14;
	v12 =	vld [tilespmem:s19+$0x10]  }
0xd5: {  	v14 =	vmul.f32 $-3.000000000e+01, v7;
	v19 =	vadd.s32 v1, v19;
	v18 =	vld.idx.msk [tilespmem:v18+s3+$0x0], $0xffff  }
.Ltmp3:
0xd6: {  	v9 =	vadd.s32 v1, v15;
	v16 =	vld [tilespmem:s18+$0x20];
	(pc) =	sbr.rel @p0 .LBB2_5-.Ltmp3, $4  }
0xd7: {  	vm0 =	vgt.s32 v22, $0x0;
	[tilespmem:v17+s8+$0x0] =	vst.idx.add.f32.msk vm1, v14  }
0xd8: {  	v15 =	vmul.f32 $-3.000000000e+01, v6;
	v14 =	vld.idx.msk [tilespmem:v21+s3+$0x0], $0xffff  }
0xd9: {  	v17 =	vld [tilespmem:s19+$0x0]  }
0xda: {  	s16 =	sadd.s32 $0x50, s16;
	s17 =	sadd.s32 $0x50, s17;
	s18 =	sadd.s32 $0x50, s18;
	[tilespmem:v19+s8+$0x0] =	vst.idx.add.f32.msk vm2, v15;
	v15 =	vadd.s32 v1, v20  }
0xdb: {  	v16 =	vmul.f32 v16, v3;
	vm1 =	vgt.s32 v11, $0x0  }
0xdc: {  	v11 =	vadd.s32 v1, v18  }
0xdd: {  	v16 =	vadd.f32 v16, v4;
	_ =	sdelay $0x1  }
0xde: {  	v18 =	vmul.f32 $-3.000000000e+01, v16  }
0xdf: {  	v19 =	vld [tilespmem:s14+$0xFFFFFFE0]  }
0xe0: {  	[tilespmem:v11+s8+$0x0] =	vst.idx.add.f32.msk vm1, v18  }
0xe1: {  	v11 =	vld [tilespmem:s14+$0x20];
	_ =	sdelay $0x1  }
0xe2: {  	vm2 =	vgt.s32 v12, $0x0  }
0xe3: {  	vm3 =	vgt.s32 v19, $0x0  }
0xe4: {  	v12 =	vadd.s32 v1, v14;
	vm1 =	vgt.s32 v17, $0x0  }
0xe5: {  	v8 =	vmul.f32 $3.000000000e+01, v8;
	vm4 =	vgt.s32 v11, $0x0  }
0xe6: {  	p0 =	seq.s32 s13, $0x31;
	v5 =	vmul.f32 $3.000000000e+01, v5  }
0xe7: {  	v6 =	vmul.f32 $3.000000000e+01, v6;
	[tilespmem:v15+s8+$0x0] =	vst.idx.add.f32.msk vm0, v8;
	s14 =	smul.u32 @!p0 $0xFA0, s13  }
0xe8: {  	v7 =	vmul.f32 $3.000000000e+01, v7;
	[tilespmem:v10+s8+$0x0] =	vst.idx.add.f32.msk vm2, v5  }
0xe9: {  	v5 =	vmul.f32 $3.000000000e+01, v16;
	s14 =	sadd.s32 @!p0 s14, s21;
	[tilespmem:v12+s8+$0x0] =	vst.idx.add.f32.msk vm3, v6  }
0xea: {  	s16 =	simm.s32 @!p0 $0x7D0;
	s14 =	sshrl.u32 @!p0 s14, $0x3;
	[tilespmem:v13+s8+$0x0] =	vst.idx.add.f32.msk vm1, v7  }
0xeb: {  	s17 =	simm.s32 @!p0 $0x61A800;
	s18 =	simm.s32 @!p0 $0x18800;
	s15 =	sadd.s32 @!p0 s4, s14;
	[tilespmem:v9+s8+$0x0] =	vst.idx.add.f32.msk vm4, v5  }
0xec: {  	[tilespmem:s18], [sflag:$0x1] =	stream.strided.gather @!p0 [hbm4b:s15+s16], $0xFA0, s17, s16, $0x38;
	[tilespmem:$0x1FC10] =	vst v63  }
0xed: {  	s15 =	sadd.s32 @!p0 s5, s14;
	s16 =	simm.s32 @!p0 $0x0;
	s17 =	simm.s32 @!p0 $0x197A0  }
0xee: {  	[tilespmem:s17], [sflag:$0x1] =	stream.linear.gather @!p0 [hbm4b:s15+s16], $0x7D0, $0x38;
	[tilespmem:$0x1FC10] =	vst v63  }
0xef: {  	s15 =	sadd.s32 @!p0 s6, s14;
	s17 =	simm.s32 @!p0 $0x19F70  }
0xf0: {  	[tilespmem:s17], [sflag:$0x1] =	stream.linear.gather @!p0 [hbm4b:s15+s16], $0x7D0, $0x38;
	[tilespmem:$0x1FC10] =	vst v63  }
0xf1: {  	s14 =	sadd.s32 @!p0 s7, s14;
	s15 =	simm.s32 @!p0 $0x1A740  }
0xf2: {  	[tilespmem:s15], [sflag:$0x1] =	stream.linear.gather @!p0 [hbm4b:s14+s16], $0x7D0, $0x38;
	[tilespmem:$0x1FC10] =	vst v63  }
0xf3: {  	_ =	swait.ge [sflag:s10], $0xFA0  }
0xf4: {  	[sflag:s10] =	ssyncset.done $0x0  }
0xf5: {  	[sflag:s10] =	ssyncadd.s32 $0xFFFFF060  }
0xf6: {  	_ =	swait.ge [sflag:s10], $0x7D0  }
0xf7: {  	[sflag:s10] =	ssyncset.done $0x0  }
0xf8: {  	[sflag:s10] =	ssyncadd.s32 $0xFFFFF830  }
0xf9: {  	_ =	swait.ge [sflag:s10], $0x7D0  }
0xfa: {  	[sflag:s10] =	ssyncset.done $0x0  }
0xfb: {  	[sflag:s10] =	ssyncadd.s32 $0xFFFFF830  }
0xfc: {  	_ =	swait.ge [sflag:s10], $0x7D0  }
0xfd: {  	[sflag:s10] =	ssyncset.done $0x0  }
0xfe: {  	s15 =	simm.s32 $0x1BED0;
	[sflag:s10] =	ssyncadd.s32 $0xFFFFF830  }
0xff: {  	s18 =	simm.s32 $0x1C6A0;
	v5 =	vld [tilespmem:s15+$0x10]  }
0x100: {  	s19 =	simm.s32 $0x10;
	v6 =	vld [tilespmem:s18+$0x0]  }
0x101: {  	v7 =	vadd.s32 s19, v2;
	v9 =	vld [tilespmem:s18+$0xFFFFFFE0]  }
0x102: {  	s20 =	simm.s32 $0x20;
	v8 =	vor.u32 s19, v0;
	v10 =	vld [tilespmem:s15+$0xFFFFFFE0]  }
0x103: {  	s23 =	simm.s32 $0x30;
	v11 =	vor.u32 s20, v0;
	v12 =	vld [tilespmem:s15+$0x0]  }
0x104: {  	v13 =	vor.u32 s23, v0;
	v14 =	vld [tilespmem:s15+$0xFFFFFFF0]  }
0x105: {  	s24 =	simm.s32 $0x40;
	v15 =	vadd.s32 s20, v2;
	v16 =	vld [tilespmem:s18+$0xFFFFFFF0]  }
0x106: {  	v18 =	vadd.s32 s24, v2;
	v7 =	vld.idx.msk [tilespmem:v7+s0+$0x0], $0xffff  }
0x107: {  	v17 =	vadd.s32 s23, v2;
	v8 =	vld.idx.msk [tilespmem:v8+s0+$0x0], $0xffff  }
0x108: {  	s25 =	simm.s32 $0x0;
	v11 =	vld.idx.msk [tilespmem:v11+s0+$0x0], $0xffff  }
0x109: {  	v19 =	vor.u32 s25, v0;
	v13 =	vld.idx.msk [tilespmem:v13+s0+$0x0], $0xffff  }
0x10a: {  	v15 =	vld.idx.msk [tilespmem:v15+s0+$0x0], $0xffff  }
0x10b: {  	v18 =	vld.idx.msk [tilespmem:v18+s0+$0x0], $0xffff  }
0x10c: {  	v17 =	vld.idx.msk [tilespmem:v17+s0+$0x0], $0xffff  }
0x10d: {  	v20 =	vld [tilespmem:s18+$0x10]  }
0x10e: {  	v19 =	vld.idx.msk [tilespmem:v19+s0+$0x0], $0xffff  }
0x10f: {  	v22 =	vor.u32 s24, v0;
	v21 =	vld.idx.msk [tilespmem:v7+s3+$0x0], $0xffff  }
0x110: {  	v7 =	vld.idx.msk [tilespmem:v8+s3+$0x0], $0xffff  }
0x111: {  	v13 =	vld.idx.msk [tilespmem:v13+s3+$0x0], $0xffff  }
0x112: {  	v23 =	vld.idx.msk [tilespmem:v15+s3+$0x0], $0xffff  }
0x113: {  	vm0 =	vgt.s32 v16, $0x0;
	v16 =	vld.idx.msk [tilespmem:v18+s3+$0x0], $0xffff  }
0x114: {  	v15 =	vadd.s32 s25, v2;
	v8 =	vmul.f32 v14, v3;
	v18 =	vld.idx.msk [tilespmem:v22+s0+$0x0], $0xffff  }
0x115: {  	v17 =	vld.idx.msk [tilespmem:v17+s3+$0x0], $0xffff;
	v7 =	vadd.s32 v1, v7  }
0x116: {  	v14 =	vld.idx.msk [tilespmem:v11+s3+$0x0], $0xffff;
	v8 =	vadd.f32 v8, v4  }
0x117: {  	v5 =	vmul.f32 v5, v3;
	vm1 =	vgt.s32 v20, $0x0;
	v11 =	vld [tilespmem:s18+$0x20]  }
0x118: {  	v19 =	vld.idx.msk [tilespmem:v19+s3+$0x0], $0xffff;
	v20 =	vmul.f32 $-3.000000000e+01, v8;
	v13 =	vadd.s32 v1, v13  }
0x119: {  	v5 =	vadd.f32 v5, v4;
	v62 =	vld.idx.msk [tilespmem:v15+s0+$0x0], $0xffff  }
0x11a: {  	v12 =	vmul.f32 v12, v3;
	[tilespmem:v7+s8+$0x0] =	vst.idx.add.f32.msk vm0, v20;
	vm0 =	vgt.s32 v6, $0x0  }
0x11b: {  	v14 =	vadd.s32 v1, v14;
	v15 =	vld [tilespmem:s15+$0x20];
	v6 =	vmul.f32 $-3.000000000e+01, v5  }
0x11c: {  	v18 =	vld.idx.msk [tilespmem:v18+s3+$0x0], $0xffff;
	v7 =	vadd.f32 v12, v4  }
0x11d: {  	s14 =	simm.s32 $0x1CE70;
	[tilespmem:v13+s8+$0x0] =	vst.idx.add.f32.msk vm1, v6;
	v6 =	vmul.f32 v10, v3;
	vm1 =	vgt.s32 v9, $0x0  }
0x11e: {  	v19 =	vadd.s32 v1, v19;
	v20 =	vld [tilespmem:s14+$0xFFFFFFF0];
	v9 =	vmul.f32 $-3.000000000e+01, v7  }
0x11f: {  	v12 =	vld [tilespmem:s14+$0x10];
	v6 =	vadd.f32 v6, v4  }
0x120: {  	[tilespmem:v14+s8+$0x0] =	vst.idx.add.f32.msk vm0, v9  }
0x121: {  	v14 =	vld.idx.msk [tilespmem:v62+s3+$0x0], $0xffff;
	v63 =	vmul.f32 $-3.000000000e+01, v6  }
0x122: {  	s19 =	simm.s32 $0x1CE70;
	s17 =	simm.s32 $0x1C6F0;
	v10 =	vadd.s32 v1, v17;
	v13 =	vadd.s32 v1, v23;
	v17 =	vld [tilespmem:s14+$0x0]  }
0x123: {  	s16 =	simm.s32 $0x50;
	s18 =	simm.s32 $0x1BF20;
	s15 =	simm.s32 $0x0;
	v9 =	vadd.s32 v1, v16;
	vm0 =	vgt.s32 v20, $0x0;
	v16 =	vadd.s32 v1, v21;
	[tilespmem:v19+s8+$0x0] =	vst.idx.add.f32.msk vm1, v63  }
.LBB2_7:
0x124: {  	v19 =	vor.u32 s16, v0;
	s20 =	sadd.s32 $0x10, s16;
	s15 =	sadd.s32 $0x5, s15;
	v20 =	vld [tilespmem:s14+$0xFFFFFFE0];
	v18 =	vadd.s32 v1, v18;
	s19 =	sadd.s32 $0x50, s19  }
0x125: {  	s23 =	sadd.s32 $0x20, s16;
	v21 =	vor.u32 s20, v0;
	v22 =	vld [tilespmem:s18+$0x10];
	p1 =	slt.u32 s15, $0x78  }
0x126: {  	s24 =	sadd.s32 $0x30, s16;
	v23 =	vor.u32 s23, v0;
	v24 =	vld [tilespmem:s17+$0x0]  }
0x127: {  	s25 =	sadd.s32 $0x40, s16;
	v8 =	vmul.f32 $3.000000000e+01, v8;
	v26 =	vor.u32 s24, v0;
	v25 =	vld [tilespmem:s17+$0xFFFFFFE0];
	vm2 =	vgt.s32 v17, $0x0  }
0x128: {  	v15 =	vmul.f32 v15, v3;
	vm3 =	vgt.s32 v11, $0x0;
	v27 =	vor.u32 s25, v0;
	v17 =	vld [tilespmem:s18+$0xFFFFFFE0]  }
0x129: {  	v28 =	vadd.s32 s23, v2;
	v11 =	vld [tilespmem:s18+$0x0];
	vm1 =	vgt.s32 v20, $0x0  }
0x12a: {  	v15 =	vadd.f32 v15, v4;
	v20 =	vadd.s32 s20, v2;
	v22 =	vmul.f32 v22, v3;
	[tilespmem:v16+s8+$0x0] =	vst.idx.add.f32.msk vm0, v8  }
0x12b: {  	v7 =	vmul.f32 $3.000000000e+01, v7;
	v14 =	vadd.s32 v1, v14;
	v16 =	vadd.s32 s16, v2;
	v8 =	vld [tilespmem:s18+$0xFFFFFFF0]  }
0x12c: {  	v30 =	vmul.f32 $-3.000000000e+01, v15;
	v29 =	vld [tilespmem:s17+$0xFFFFFFF0];
	v22 =	vadd.f32 v22, v4  }
0x12d: {  	v17 =	vmul.f32 v17, v3;
	[tilespmem:v13+s8+$0x0] =	vst.idx.add.f32.msk vm2, v7  }
0x12e: {  	vm0 =	vgt.s32 v12, $0x0;
	v7 =	vmul.f32 v11, v3;
	[tilespmem:v18+s8+$0x0] =	vst.idx.add.f32.msk vm3, v30  }
0x12f: {  	v11 =	vadd.f32 v17, v4;
	v12 =	vld [tilespmem:s14+$0x20];
	s14 =	smov.u32 s19  }
0x130: {  	v8 =	vmul.f32 v8, v3;
	v13 =	vld.idx.msk [tilespmem:v21+s0+$0x0], $0xffff;
	v7 =	vadd.f32 v7, v4  }
0x131: {  	v18 =	vadd.s32 s24, v2;
	v17 =	vld.idx.msk [tilespmem:v23+s0+$0x0], $0xffff  }
0x132: {  	v21 =	vmul.f32 $3.000000000e+01, v5;
	v5 =	vmov v22;
	v8 =	vadd.f32 v8, v4;
	v20 =	vld.idx.msk [tilespmem:v20+s0+$0x0], $0xffff  }
0x133: {  	v23 =	vadd.s32 s25, v2;
	v22 =	vld [tilespmem:s17+$0x10]  }
0x134: {  	[tilespmem:v10+s8+$0x0] =	vst.idx.add.f32.msk vm0, v21;
	vm0 =	vgt.s32 v12, $0x0  }
0x135: {  	v12 =	vmul.f32 $3.000000000e+01, v6;
	v6 =	vmov v11;
	v10 =	vld.idx.msk [tilespmem:v26+s0+$0x0], $0xffff  }
0x136: {  	v11 =	vld.idx.msk [tilespmem:v28+s0+$0x0], $0xffff  }
0x137: {  	[tilespmem:v14+s8+$0x0] =	vst.idx.add.f32.msk vm1, v12  }
0x138: {  	v14 =	vmul.f32 $3.000000000e+01, v15;
	v12 =	vld.idx.msk [tilespmem:v18+s0+$0x0], $0xffff  }
0x139: {  	v15 =	vld.idx.msk [tilespmem:v23+s0+$0x0], $0xffff  }
0x13a: {  	[tilespmem:v9+s8+$0x0] =	vst.idx.add.f32.msk vm0, v14  }
0x13b: {  	v20 =	vld.idx.msk [tilespmem:v20+s3+$0x0], $0xffff  }
0x13c: {  	vm0 =	vgt.s32 v22, $0x0;
	v9 =	vld.idx.msk [tilespmem:v13+s3+$0x0], $0xffff  }
0x13d: {  	v13 =	vld.idx.msk [tilespmem:v19+s0+$0x0], $0xffff  }
0x13e: {  	v10 =	vld.idx.msk [tilespmem:v10+s3+$0x0], $0xffff  }
0x13f: {  	v14 =	vld.idx.msk [tilespmem:v11+s3+$0x0], $0xffff  }
0x140: {  	v12 =	vld.idx.msk [tilespmem:v12+s3+$0x0], $0xffff  }
0x141: {  	vm1 =	vgt.s32 v29, $0x0;
	v19 =	vld.idx.msk [tilespmem:v15+s3+$0x0], $0xffff  }
0x142: {  	v9 =	vadd.s32 v1, v9;
	v15 =	vld.idx.msk [tilespmem:v17+s3+$0x0], $0xffff  }
0x143: {  	v17 =	vld.idx.msk [tilespmem:v27+s0+$0x0], $0xffff  }
0x144: {  	v10 =	vadd.s32 v1, v10;
	v11 =	vld [tilespmem:s17+$0x20]  }
0x145: {  	v18 =	vld.idx.msk [tilespmem:v13+s3+$0x0], $0xffff;
	v13 =	vmul.f32 $-3.000000000e+01, v8  }
0x146: {  	v16 =	vld.idx.msk [tilespmem:v16+s0+$0x0], $0xffff  }
0x147: {  	[tilespmem:v9+s8+$0x0] =	vst.idx.add.f32.msk vm1, v13;
	vm1 =	vgt.s32 v24, $0x0;
	v9 =	vmul.f32 $-3.000000000e+01, v5  }
0x148: {  	v22 =	vadd.s32 v1, v15;
	v21 =	vld [tilespmem:s19+$0xFFFFFFF0]  }
0x149: {  	[tilespmem:v10+s8+$0x0] =	vst.idx.add.f32.msk vm0, v9;
	v10 =	vadd.s32 v1, v12  }
0x14a: {  	vm2 =	vgt.s32 v25, $0x0;
	v13 =	vadd.s32 v1, v14;
	v12 =	vld [tilespmem:s19+$0x10]  }
0x14b: {  	v14 =	vmul.f32 $-3.000000000e+01, v7;
	v23 =	vadd.s32 v1, v18;
	v18 =	vld.idx.msk [tilespmem:v17+s3+$0x0], $0xffff  }
.Ltmp4:
0x14c: {  	v9 =	vadd.s32 v1, v19;
	v15 =	vld [tilespmem:s18+$0x20];
	(pc) =	sbr.rel @p1 .LBB2_7-.Ltmp4, $4  }
0x14d: {  	vm0 =	vgt.s32 v21, $0x0;
	[tilespmem:v22+s8+$0x0] =	vst.idx.add.f32.msk vm1, v14  }
0x14e: {  	v14 =	vld.idx.msk [tilespmem:v16+s3+$0x0], $0xffff;
	v16 =	vmul.f32 $-3.000000000e+01, v6  }
0x14f: {  	v17 =	vld [tilespmem:s19+$0x0]  }
0x150: {  	s16 =	sadd.s32 $0x50, s16;
	s17 =	sadd.s32 $0x50, s17;
	s18 =	sadd.s32 $0x50, s18;
	[tilespmem:v23+s8+$0x0] =	vst.idx.add.f32.msk vm2, v16;
	v16 =	vadd.s32 v1, v20  }
0x151: {  	v15 =	vmul.f32 v15, v3;
	vm1 =	vgt.s32 v11, $0x0  }
0x152: {  	v60 =	vadd.s32 v1, v18  }
0x153: {  	v15 =	vadd.f32 v15, v4;
	_ =	sdelay $0x1  }
0x154: {  	v61 =	vmul.f32 $-3.000000000e+01, v15  }
0x155: {  	v62 =	vld [tilespmem:s14+$0xFFFFFFE0]  }
0x156: {  	[tilespmem:v60+s8+$0x0] =	vst.idx.add.f32.msk vm1, v61  }
0x157: {  	v18 =	vld [tilespmem:s14+$0x20];
	_ =	sdelay $0x1  }
0x158: {  	vm2 =	vgt.s32 v12, $0x0  }
0x159: {  	vm15 =	vgt.s32 v17, $0x0  }
0x15a: {  	vm3 =	vgt.s32 v62, $0x0  }
0x15b: {  	v8 =	vmul.f32 $3.000000000e+01, v8;
	v63 =	vadd.s32 v1, v14;
	vm4 =	vgt.s32 v18, $0x0  }
0x15c: {  	v5 =	vmul.f32 $3.000000000e+01, v5  }
.Ltmp5:
0x15d: {  	v7 =	vmul.f32 $3.000000000e+01, v7;
	[tilespmem:v16+s8+$0x0] =	vst.idx.add.f32.msk vm0, v8;
	(pc) =	sbr.rel @p0 .LBB2_10-.Ltmp5, $4  }
0x15e: {  	v6 =	vmul.f32 $3.000000000e+01, v6;
	[tilespmem:v10+s8+$0x0] =	vst.idx.add.f32.msk vm2, v5  }
0x15f: {  	v5 =	vmul.f32 $3.000000000e+01, v15;
	[tilespmem:v13+s8+$0x0] =	vst.idx.add.f32.msk vm15, v7  }
0x160: {  	[tilespmem:v63+s8+$0x0] =	vst.idx.add.f32.msk vm3, v6  }
0x161: {  	[tilespmem:v9+s8+$0x0] =	vst.idx.add.f32.msk vm4, v5  }
0x162: {  	s14 =	smul.u32 $0xFA0, s13;
	_ =	sdelay $0x1  }
0x163: {  	s14 =	sadd.s32 s14, s22  }
0x164: {  	s14 =	sshrl.u32 s14, $0x3  }
0x165: {  	s15 =	sadd.s32 s4, s14  }
0x166: {  	[tilespmem:s0], [sflag:$0x2] =	stream.strided.gather [hbm4b:s15+s26], $0xFA0, s28, s26, $0x38;
	[tilespmem:$0x1FC10] =	vst v63  }
0x167: {  	s24 =	sadd.s32 s5, s14  }
0x168: {  	[tilespmem:s2], [sflag:$0x2] =	stream.linear.gather [hbm4b:s24+s3], $0x7D0, $0x38;
	[tilespmem:$0x1FC10] =	vst v63  }
.Ltmp6:
0x169: {  	_ = 	snop;
	(pc) =	sbr.rel .LBB2_4-.Ltmp6, $4  }
0x16a: {  	s25 =	sadd.s32 s6, s14  }
0x16b: {  	[tilespmem:s30], [sflag:$0x2] =	stream.linear.gather [hbm4b:s25+s3], $0x7D0, $0x38;
	[tilespmem:$0x1FC10] =	vst v63  }
0x16c: {  	s13 =	sadd.s32 $0x1, s13;
	s14 =	sadd.s32 s7, s14  }
0x16d: {  	[tilespmem:s31], [sflag:$0x2] =	stream.linear.gather [hbm4b:s14+s3], $0x7D0, $0x38;
	[tilespmem:$0x1FC10] =	vst v63  }
.LBB2_11:
0x16e: {  	_ =	sfence.sel $0x180000  }
0x16f: {  	[bflag:$0x0] =	sbarrier.arrive $0xFFFF  }
0x170: {  	_ =	strace $0x9000004A  }
0x171: {  	s0 =	stileid.u32;
	[bflag:$0x2] =	sbarrier.arrive $0xFFFF  }
0x172: {  	p0 =	sne.s32 s0, $0x0;
	s0 =	rddreg [dreg:$0x2]  }
0x173: {  	s0 =	sadd.s32 @!p0 $0x100000, s0  }
0x174: {  	[sflag:s0] =	ssyncadd.tile.s32 @!p0 $0x1;
	_ =	shalt  }
.Lfunc_end2:
_tile_overlayer_lowered:
.L_overlay_start_2:
0x175: {  	(tag) =	ssettag $0x2  }
0x176: {  	s0 =	rddreg [dreg:$0x0];
	s2 =	stileid.u32  }
0x177: {  	s1 =	rddreg [dreg:$0x1];
	p0 =	sne.s32 s2, $0x0  }
0x178: {  	s3 =	rddreg [dreg:$0x2];
	[bflag:$0x3] =	sbarrier.arrive $0xFFFF;
	s2 =	simm.s32 @!p0 $0x1C03  }
0x179: {  	[timem:s3], [sflag:s2] =	dma.local @!p0 [hbm:s0], s1  }
0x17a: {  	s0 =	simm.s32 @!p0 $0x3  }
0x17b: {  	_ =	swait.ge @!p0 [sflag:s0], s1  }
0x17c: {  	s1 =	ssub.s32 @!p0 $0x0, s1;
	[sflag:s0] =	ssyncset.done @!p0 $0x0  }
0x17d: {  	[sflag:s0] =	ssyncadd.s32 @!p0 s1  }
0x17e: {  	[bflag:$0x3] =	sbarrier.arrive $0xFFFF  }
0x17f: {  	_ =	shalt  }

// kernel: sparse-core-data-format-call.cloned.1.call-start
scs
called_computation_lowered:
.L_overlay_start_0:
0x0: {  	s2 =	sld [smem:$0x3FD9]  }
0x1: {  	s3 =	sld [smem:$0x3FFE];
	_ =	sdelay $0x1  }
0x2: {  	s1 =	srdreg.scid  }
0x3: {  	s0 =	sand.u32 $0x1, s1  }
0x4: {  	s18 =	sshll.u32 s0, $0xA;
	s2 =	sadd.s32 s3, s2  }
0x5: {  	s2 =	sadd.s32 s2, s18  }
0x6: {  	[smem:$0x3FBC] =	sst s2  }
0x7: {  	_ = 	snop  }
0x8: {  	s2 =	sld [smem:$0x3FC4];
	(tm) =	ssettm $0x1  }
0x9: {  	s19 =	sld [smem:$0x3FFB];
	_ =	sdelay $0x3  }
0xa: {  	_ =	strace s19  }
0xb: {  	s3 =	sld [smem:$0x3FFC];
	_ =	sdelay $0x3  }
0xc: {  	_ =	strace s3  }
0xd: {  	s3 =	sld [smem:$0x3FFD];
	_ =	sdelay $0x3  }
0xe: {  	_ =	strace s3  }
0xf: {  	_ =	strace $0x8FFFFFFF  }
0x10: {  	s20 =	sld [smem:$0x3FDB];
	_ =	sdelay $0x1  }
0x11: {  	s4 =	simm.s32 $_scs_section_size  }
0x12: {  	s5 =	simm.s32 $_size__tile_overlayer_lowered;
	s6 =	simm.s32 $_tile_overlayer_lowered  }
0x13: {  	s23 =	simm.s32 $0x1BFF;
	s22 =	sshll.u32 s6, $0x1;
	s3 =	sadd.s32 s4, s20  }
0x14: {  	s7 =	simm.s32 $0x0;
	s21 =	sshll.u32 s5, $0x1;
	s5 =	sadd.s32 s22, s3  }
0x15: {  	[timem:s7], [sflag:s23] =	dma.local [hbm:s5], s21  }
0x16: {  	_ =	swait.ge [sflag:s23], s21  }
0x17: {  	s4 =	ssub.s32 $0x0, s21;
	[sflag:s23] =	ssyncset.done $0x0  }
0x18: {  	[sflag:s23] =	ssyncadd.s32 s4;
	_ =	sdelay $0x1  }
0x19: {  	s24 =	simm.s32 $0x1B8B  }
0x1a: {  	_ =	swait.ge [sflag:s24], $0x1  }
0x1b: {  	[sflag:s24] =	ssyncset.done $0x0  }
0x1c: {  	s26 =	simm.s32 $0x1B8E;
	s25 =	sld [smem:$0x3FFE];
	[sflag:s24] =	ssyncadd.s32 $0xFFFFFFFF  }
0x1d: {  	s27 =	simm.s32 $execute0_lowered;
	[smem:$0x3FD2] =	sst s26  }
0x1e: {  	s5 =	sshll.u32 s27, $0x1;
	_ =	strace $0x80000046;
	[dreg:$0x1] =	wrdreg $0xFFFFFFFF  }
0x1f: {  	s28 =	simm.s32 $_size_execute0_lowered;
	s3 =	sadd.s32 s3, s5;
	[dreg:$0x0] =	wrdreg $0x0  }
0x20: {  	s5 =	sshll.u32 s28, $0x1;
	[dreg:$0x2] =	wrdreg s3  }
0x21: {  	[dreg:$0x3] =	wrdreg s5  }
0x22: {  	[dreg:$0x4] =	wrdreg $0xC0  }
0x23: {  	_ =	task [dreg:s7], $0x5FFFF  }
0x24: {  	[dreg:$0x1] =	wrdreg $0xFFFFFFFF  }
0x25: {  	[dreg:$0x0] =	wrdreg $0x60  }
0x26: {  	[dreg:$0x2] =	wrdreg s2  }
0x27: {  	[dreg:$0x3] =	wrdreg s25  }
0x28: {  	[dreg:$0x4] =	wrdreg $0x9  }
0x29: {  	_ =	task.clear_ibuf [dreg:s7], $0x5FFFF;
	_ =	strace $0x90000046  }
0x2a: {  	s29 =	simm.s32 $0x9;
	_ =	strace $0x80000048  }
0x2b: {  	_ =	swait.ge [sflag:s29], $0x1  }
0x2c: {  	[sflag:s29] =	ssyncadd.s32 $0xFFFFFFFF  }
0x2d: {  	_ =	strace $0x90000048  }
0x2e: {  	_ =	sfence  }
0x2f: {  	s30 =	sld [smem:$0x0];
	_ =	sdelay $0x2  }
0x30: {  	s31 =	sshll.u32 s1, $0xD;
	s1 =	sshrl.u32 s1, $0x2  }
0x31: {  	s3 =	sand.u32 $0x4000, s31;
	s1 =	sadd.s32 s1, s30  }
0x32: {  	s0 =	sor.u32 s3, s0;
	s1 =	sshll.u32 s1, $0x11  }
0x33: {  	s0 =	sor.u32 s1, s0  }
0x34: {  	s0 =	sadd.s32 $0x8F2B, s0  }
0x35: {  	[sflag:s0] =	ssyncadd.remote.s32 $0x1  }
0x36: {  	_ =	sfence.sel $0xFFFF  }
0x37: {  	[dreg:$0x0] =	wrdreg $0xFFFFFFFF;
	(pc) =	sbr.abs _section_cstart, $3  }
0x38: {  	[dreg:$0x1] =	wrdreg $0xFFFFFFFF  }
0x39: {  	_ =	task.clear_ibuf [dreg:s7], $0x2FFFF;
	_ =	strace $0x9FFFFFFF  }
0x3a: {  	(tm) =	ssettm $0x7FFFFFFF  }
0x3b: {  	_ =	shalt  }
tec
execute0_lowered:
.L_overlay_start_1:
0x0: {  	(tag) =	ssettag $0x1  }
0x1: {  	s0 =	stileid.u32;
	s7 =	rddreg [dreg:$0x0]  }
0x2: {  	s1 =	srdreg.scid;
	s4 =	rddreg [dreg:$0x1]  }
0x3: {  	s30 =	simm.s32 $0x2;
	s10 =	simm.s32 $0x0;
	s14 =	simm.s32 $0x0  }
0x4: {  	s15 =	simm.s32 $0x0;
	s11 =	simm.s32 $0x0;
	s13 =	simm.s32 $0x0  }
0x5: {  	s2 =	sand.u32 $0x1, s1;
	s3 =	sshll.u32 s0, $0x7;
	s1 =	rddreg [dreg:$0x2]  }
0x6: {  	_ =	strace $0x80000047;
	s5 =	ssub.s32 $0xC300, s3;
	s6 =	ssub.s32 $0x2, s2  }
.Ltmp0:
0x7: {  	s5 =	sshrl.u32 s5, $0xB;
	s8 =	sshrl.u32 s6, $0x1;
	(pc) =	sbr.rel .LBB1_1-.Ltmp0, $4  }
0x8: {  	s4 =	sadd.s32 $0x1400, s4;
	s9 =	sadd.s32 $0x1, s5;
	s6 =	ssub.s32 s6, s8  }
0x9: {  	s31 =	sshll.u32 s2, $0x4;
	s5 =	simm.s32 $0x1;
	s6 =	smul.u32 s9, s6  }
0xa: {  	s12 =	smov.u32 s3;
	s7 =	sadd.s32 s7, s31;
	[sflag:s5] =	ssyncpa.u1 $0x0  }
0xb: {  	s9 =	simm.s32 $0x0;
	[sflag:s30] =	ssyncpa.u1 $0x0;
	s8 =	sadd.s32 $0x1, s6  }
.LBB1_4:
0xc: {  	s21 =	simm.s32 $0x0  }
.LBB1_8:
0xd: {  	_ =	sdelay $0x3  }
0xe: {  	v6 =	vld [tilespmem:s18+$0xFFFFFFC0];
	[tilespmem:v0+s20+$0x30 ss:$0x1] =	vst.idx.msk @p0 $0xffff, v2  }
0xf: {  	v58 =	vld [tilespmem:s18+$0xFFFFFFD0];
	[tilespmem:v0+s20+$0x40 ss:$0x1] =	vst.idx.msk @p0 $0xffff, v3;
	s21 =	sadd.s32 @p0 $0x80, s21  }
0x10: {  	v59 =	vld [tilespmem:s18+$0xFFFFFFE0];
	[tilespmem:v0+s20+$0x50 ss:$0x1] =	vst.idx.msk @p0 $0xffff, v5;
	s19 =	smov.u32 @p0 s21  }
0x11: {  	v60 =	vld [tilespmem:s18+$0xFFFFFFF0];
	[tilespmem:v0+s20+$0x60 ss:$0x1] =	vst.idx.msk @p0 $0xffff, v4;
	s19 =	sand.u32 $0x3F80, s19  }
0x12: {  	v61 =	vld [tilespmem:s18+$0x0];
	[tilespmem:v0+s19+$0x70 ss:$0x1] =	vst.idx.msk $0xffff, v1  }
0x13: {  	v62 =	vld [tilespmem:s18+$0x10];
	[tilespmem:v0+s19+$0x0 ss:$0x1] =	vst.idx.msk $0xffff, v6  }
0x14: {  	v63 =	vld [tilespmem:s18+$0x20];
	[tilespmem:v0+s19+$0x10 ss:$0x1] =	vst.idx.msk $0xffff, v58  }
0x15: {  	[tilespmem:v0+s19+$0x20 ss:$0x1] =	vst.idx.msk $0xffff, v59  }
0x16: {  	[tilespmem:v0+s19+$0x30 ss:$0x1] =	vst.idx.msk $0xffff, v60  }
0x17: {  	[tilespmem:v0+s19+$0x40 ss:$0x1] =	vst.idx.msk $0xffff, v61  }
0x18: {  	[tilespmem:v0+s19+$0x50 ss:$0x1] =	vst.idx.msk $0xffff, v62  }
0x19: {  	[tilespmem:v0+s19+$0x60 ss:$0x1] =	vst.idx.msk $0xffff, v63  }
.LBB1_9:
0x1a: {  	s18 =	sand.u32 $0x1FFFFFF, s11  }
0x1b: {  	s19 =	smulhi.u32 $0x14F8B59, s18;
	_ =	sdelay $0x1  }
0x1c: {  	s19 =	sshrl.u32 s19, $0x8  }
0x1d: {  	s19 =	smul.u32 $0xC350, s19  }
0x1e: {  	s15 =	smul.u32 $0xC3500, s15  }
0x1f: {  	s18 =	ssub.s32 s18, s19  }
0x20: {  	s15 =	sadd.s32 s4, s15;
	s18 =	sshll.u32 s18, $0x4  }
0x21: {  	s15 =	sadd.s32 s18, s15  }
0x22: {  	[hbm4b:s15+s9] =	stream.linear.scatter [tilespmem:s17], [sflag:$0x2], s16, $0x38;
	[tilespmem:$0x10000] =	vst v63  }
.LBB1_10:
0x23: {  	p0 =	slt.u32 s13, $0x2  }
0x24: {  	p1 =	sgt.s32 @!p0 s14, $0xC2D0  }
0x25: {  	s15 =	smov.u32 s14;
	s16 =	sshra.s32 @!p0 s14, $0x1F;
	p1 =	por !p1, p0  }
0x26: {  	s14 =	sand.u32 @!p0 s16, s14;
	s15 =	simm.s32 @p1 $0xC2D0  }
0x27: {  	s14 =	ssub.s32 @!p0 s15, s14  }
0x28: {  	s14 =	sadd.s32 @!p0 $0xFFFF3D30, s14  }
0x29: {  	s15 =	sshll.u32 @!p0 s14, $0x7  }
0x2a: {  	p1 =	sgt.s32 @!p0 s14, $0x7F;
	s14 =	ssub.s32 @!p0 $0x4000, s15  }
0x2b: {  	s16 =	sadd.s32 $0x800, s12;
	p1 =	por !p1, p0;
	s14 =	sand.u32 @!p0 $0x3FFFFF80, s14  }
0x2c: {  	s14 =	simm.s32 @!p1 $0x0;
	p1 =	sgt.s32 s16, $0xC34F  }
0x2d: {  	s16 =	smov.u32 @p1 s3;
	p1 =	sne.s32 s13, s8  }
.Ltmp1:
0x2e: {  	_ = 	snop;
	(pc) =	sbr.rel @!p1 .LBB1_11-.Ltmp1, $4  }
0x2f: {  	s10 =	sadd.s32 $0x4000, s10;
	s15 =	simm.s32 @!p0 $0x2  }
0x30: {  	_ =	swait.ge @!p0 [sflag:s15], s14;
	s17 =	ssub.s32 @!p0 $0x0, s14;
	s14 =	smov.u32 s11  }
0x31: {  	s13 =	sadd.s32 $0x1, s13;
	s11 =	smov.u32 s12;
	[sflag:s15] =	ssyncset.done @!p0 $0x0  }
0x32: {  	s12 =	smov.u32 s16;
	[sflag:s15] =	ssyncadd.s32 @!p0 s17;
	s15 =	smov.u32 s2  }
.LBB1_1:
0x33: {  	p0 =	sge.u32 s13, s6  }
0x34: {  	p1 =	sgt.s32 @!p0 s12, $0xC2D0  }
0x35: {  	s16 =	smov.u32 s12;
	s17 =	sshra.s32 @!p0 s12, $0x1F;
	p1 =	por !p1, p0  }
0x36: {  	s17 =	sand.u32 @!p0 s17, s12;
	s16 =	simm.s32 @p1 $0xC2D0  }
0x37: {  	s16 =	ssub.s32 @!p0 s16, s17  }
0x38: {  	s31 =	sadd.s32 $0xFFFFFFFF, s13;
	s18 =	sxor.u32 @!p0 $0xFFFFFFFF, s13;
	s16 =	sadd.s32 @!p0 $0xFFFF3D30, s16  }
0x39: {  	s19 =	simm.s32 @!p0 $0x80;
	s20 =	simm.s32 @!p0 $0x100;
	s17 =	sshll.u32 @!p0 s16, $0x7  }
0x3a: {  	p1 =	sgt.s32 @!p0 s16, $0x7F;
	s16 =	ssub.s32 @!p0 $0x4000, s17;
	s17 =	sshll.u32 @!p0 s18, $0xE  }
0x3b: {  	p1 =	por !p1, p0;
	s18 =	sshll.u32 @!p0 s12, $0x5;
	s16 =	sand.u32 @!p0 $0x3FFFFF80, s16  }
0x3c: {  	s17 =	sand.u32 @!p0 $0x4000, s17;
	s18 =	sadd.s32 @!p0 s18, s7;
	s16 =	simm.s32 @!p1 $0x0  }
0x3d: {  	[tilespmem:s17], [sflag:$0x1] =	stream.strided.gather @!p0 [hbm4b:s18+s19], s16, s20, s19, $0x38;
	[tilespmem:$0x10000] =	vst v63  }
0x3e: {  	p0 =	sge.u32 s31, s6  }
.Ltmp2:
0x3f: {  	_ = 	snop;
	(pc) =	sbr.rel @p0 .LBB1_10-.Ltmp2, $1  }
0x40: {  	_ =	sdelay $0x3  }
0x41: {  	p0 =	sgt.s32 s11, $0xC2D0;
	s16 =	smov.u32 s11;
	s17 =	sshra.s32 s11, $0x1F  }
0x42: {  	s16 =	simm.s32 @!p0 $0xC2D0;
	s17 =	sand.u32 s17, s11  }
0x43: {  	s16 =	ssub.s32 s16, s17  }
0x44: {  	s16 =	sadd.s32 $0xFFFF3D30, s16  }
0x45: {  	s30 =	sshll.u32 s16, $0x7  }
0x46: {  	s17 =	ssub.s32 $0x4000, s30  }
0x47: {  	p0 =	sgt.s32 s16, $0x7F;
	s16 =	sand.u32 $0x3FFFFF80, s17;
	s17 =	sadd.s32 $0x80, s11  }
0x48: {  	s16 =	simm.s32 @p0 $0x0;
	p0 =	slt.s32 s17, $0xC350  }
0x49: {  	s17 =	simm.s32 @!p0 $0xC350  }
0x4a: {  	s20 =	ssub.s32 s17, s11  }
0x4b: {  	p0 =	slt.s32 s20, $0x1  }
.Ltmp3:
0x4c: {  	_ = 	snop;
	(pc) =	sbr.rel @p0 .LBB1_9-.Ltmp3, $4  }
0x4d: {  	_ = 	snop  }
0x4e: {  	s19 =	sshll.u32 s13, $0xE;
	_ =	swait.ge [sflag:s5], s16  }
0x4f: {  	s31 =	sand.u32 $0x4000, s19;
	s18 =	ssub.s32 $0x0, s16;
	[sflag:s5] =	ssyncset.done $0x0  }
0x50: {  	s17 =	sor.u32 $0x8000, s31;
	[sflag:s5] =	ssyncadd.s32 s18  }
0x51: {  	p1 =	sne.s32 s20, $0x1  }
.Ltmp4:
0x52: {  	v0 =	vmov s17;
	(pc) =	sbr.rel @!p1 .LBB1_4-.Ltmp4, $4  }
0x53: {  	_ = 	snop  }
0x54: {  	s18 =	sand.u32 $0x4000, s10  }
0x55: {  	s18 =	sor.u32 $0x40, s18  }
0x56: {  	s19 =	simm.s32 $0x0;
	s21 =	sadd.s32 $0xFFFFFFFF, s20;
	p0 =	por $0x0, $0x0;
	v1 =	vld [tilespmem:s18+$0x30]  }
0x57: {  	v4 =	vld [tilespmem:s18+$0xFFFFFFC0]  }
0x58: {  	v6 =	vld [tilespmem:s18+$0xFFFFFFD0]  }
0x59: {  	v7 =	vld [tilespmem:s18+$0xFFFFFFE0];
	p1 =	sne.s32 s21, $0x1  }
.Ltmp5:
0x5a: {  	v2 =	vld [tilespmem:s18+$0xFFFFFFF0];
	s20 =	sand.u32 $0x3F80, s19;
	(pc) =	sbr.rel @!p1 .LBB1_6-.Ltmp5, $4  }
0x5b: {  	v3 =	vld [tilespmem:s18+$0x0];
	[tilespmem:v0+s20+$0x70 ss:$0x1] =	vst.idx.msk $0xffff, v1  }
0x5c: {  	v5 =	vld [tilespmem:s18+$0x10];
	[tilespmem:v0+s20+$0x0 ss:$0x1] =	vst.idx.msk $0xffff, v4  }
0x5d: {  	v4 =	vld [tilespmem:s18+$0x20];
	[tilespmem:v0+s20+$0x10 ss:$0x1] =	vst.idx.msk $0xffff, v6;
	s18 =	sadd.s32 $0x80, s18  }
0x5e: {  	s22 =	sadd.s32 $0xFFFFFFFF, s21;
	p0 =	por $0x1, $0x1;
	s21 =	simm.s32 $0x0;
	[tilespmem:v0+s20+$0x20 ss:$0x1] =	vst.idx.msk $0xffff, v7;
	v1 =	vld [tilespmem:s18+$0x30]  }
.LBB1_7:
0x5f: {  	p1 =	sne.s32 s22, $0x1;
	v6 =	vld [tilespmem:s18+$0xFFFFFFC0];
	[tilespmem:v0+s20+$0x30 ss:$0x1] =	vst.idx.msk $0xffff, v2  }
0x60: {  	v7 =	vld [tilespmem:s18+$0xFFFFFFD0];
	[tilespmem:v0+s20+$0x40 ss:$0x1] =	vst.idx.msk $0xffff, v3  }
0x61: {  	s21 =	sadd.s32 $0x80, s21;
	v8 =	vld [tilespmem:s18+$0xFFFFFFE0];
	[tilespmem:v0+s20+$0x50 ss:$0x1] =	vst.idx.msk $0xffff, v5  }
.Ltmp6:
0x62: {  	v2 =	vld [tilespmem:s18+$0xFFFFFFF0];
	[tilespmem:v0+s20+$0x60 ss:$0x1] =	vst.idx.msk $0xffff, v4;
	s20 =	sand.u32 $0x3F80, s21;
	(pc) =	sbr.rel @p1 .LBB1_7-.Ltmp6, $4  }
0x63: {  	v3 =	vld [tilespmem:s18+$0x0];
	[tilespmem:v0+s20+$0x70 ss:$0x1] =	vst.idx.msk $0xffff, v1  }
0x64: {  	[tilespmem:v0+s20+$0x0 ss:$0x1] =	vst.idx.msk $0xffff, v6;
	v5 =	vld [tilespmem:s18+$0x10]  }
0x65: {  	[tilespmem:v0+s20+$0x10 ss:$0x1] =	vst.idx.msk $0xffff, v7;
	v4 =	vld [tilespmem:s18+$0x20];
	s18 =	sadd.s32 $0x80, s18  }
0x66: {  	s22 =	sadd.s32 $0xFFFFFFFF, s22;
	v1 =	vld [tilespmem:s18+$0x30];
	[tilespmem:v0+s20+$0x20 ss:$0x1] =	vst.idx.msk $0xffff, v8  }
.Ltmp7:
0x67: {  	_ = 	snop;
	(pc) =	sbr.rel .LBB1_8-.Ltmp7, $1  }
0x68: {  	_ =	sdelay $0x3  }
.LBB1_6:
.Ltmp8:
0x69: {  	(pc) =	sbr.rel .LBB1_8-.Ltmp8, $2  }
0x6a: {  	_ =	sdelay $0x2  }
0x6b: {  	s21 =	simm.s32 $0x0  }
.LBB1_11:
0x6c: {  	_ =	sfence.sel $0x180000  }
0x6d: {  	s2 =	simm.s32 $0x1;
	[bflag:$0x0] =	sbarrier.arrive $0xFFFF  }
0x6e: {  	s31 =	simm.s32 $0x2;
	[sflag:s2] =	ssyncpa.u1 $0x1  }
0x6f: {  	[sflag:s31] =	ssyncpa.u1 $0x1  }
0x70: {  	p0 =	sne.s32 s0, $0x0;
	_ =	strace $0x90000047  }
0x71: {  	s0 =	sadd.s32 @!p0 $0x100000, s1;
	[bflag:$0x2] =	sbarrier.arrive $0xFFFF  }
0x72: {  	[sflag:s0] =	ssyncadd.tile.s32 @!p0 $0x1;
	_ =	shalt  }
.Lfunc_end1:
_tile_overlayer_lowered:
.L_overlay_start_2:
0x73: {  	(tag) =	ssettag $0x2  }
0x74: {  	s0 =	rddreg [dreg:$0x0];
	s2 =	stileid.u32  }
0x75: {  	s1 =	rddreg [dreg:$0x1];
	p0 =	sne.s32 s2, $0x0  }
0x76: {  	s3 =	rddreg [dreg:$0x2];
	[bflag:$0x3] =	sbarrier.arrive $0xFFFF;
	s2 =	simm.s32 @!p0 $0x1C01  }
0x77: {  	[timem:s3], [sflag:s2] =	dma.local @!p0 [hbm:s0], s1  }
0x78: {  	s0 =	simm.s32 @!p0 $0x1  }
0x79: {  	_ =	swait.ge @!p0 [sflag:s0], s1  }
0x7a: {  	s1 =	ssub.s32 @!p0 $0x0, s1;
	[sflag:s0] =	ssyncset.done @!p0 $0x0  }
0x7b: {  	[sflag:s0] =	ssyncadd.s32 @!p0 s1  }
0x7c: {  	[bflag:$0x3] =	sbarrier.arrive $0xFFFF  }
0x7d: {  	_ =	shalt  }

</sc_bundles>
